<compile_context>
chip_gen: v7x
topology: tpu7x:2x2x1
jax: 0.10.2.dev20260603
libtpu: 0.0.44.dev20260713+nightly
codegen_flags: <defaults>
</compile_context>

<pallas_src>
import functools

import jax
import jax.numpy as jnp
from jax import lax
from jax.experimental import pallas as pl
from jax.experimental.pallas import tpu as pltpu
from jax.experimental.pallas import tpu_sc as plsc

_NC = 2
_NS = 16
_NW = _NC * _NS
_C = 128
_NBUF = 5
_AHEAD = 3


@jax.jit
def _sc_gather(table, idx):
    nw, nchunks, c = idx.shape
    v, d = table.shape
    b_per_w = nchunks * c
    b_total = nw * b_per_w
    mesh = plsc.VectorSubcoreMesh(core_axis_name="c", subcore_axis_name="s")

    @functools.partial(
        pl.kernel,
        out_type=jax.ShapeDtypeStruct((b_total, d), table.dtype),
        mesh=mesh,
        scratch_types=[
            pltpu.VMEM((nchunks, c), jnp.int32),
            pltpu.VMEM((_NBUF, c, d), table.dtype),
            pltpu.SemaphoreType.DMA((_NBUF,)),
            pltpu.SemaphoreType.DMA((_NBUF,)),
        ],
    )
    def body(table_hbm, idx_hbm, out_hbm, idx_v, rows_v, gsem, ssem):
        wid = lax.axis_index("s") * _NC + lax.axis_index("c")
        base = wid * b_per_w

        pltpu.sync_copy(idx_hbm.at[wid], idx_v)

        for b in range(_AHEAD):
            pltpu.async_copy(
                table_hbm.at[idx_v.at[b]], rows_v.at[b], gsem.at[b])

        @pl.loop(0, nchunks, step=_NBUF)
        def _(g0):
            for b in range(_NBUF):
                g = g0 + b
                pltpu.make_async_copy(
                    table_hbm.at[pl.ds(0, c)], rows_v.at[b], gsem.at[b]
                ).wait()
                pltpu.async_copy(
                    rows_v.at[b],
                    out_hbm.at[pl.ds(base + g * c, c)],
                    ssem.at[b],
                )
                h = g + _AHEAD
                hb = (b + _AHEAD) % _NBUF

                @pl.when(h < nchunks)
                def _():
                    @pl.when(h >= _NBUF)
                    def _():
                        pltpu.make_async_copy(
                            rows_v.at[hb],
                            out_hbm.at[pl.ds(base, c)],
                            ssem.at[hb],
                        ).wait()

                    pltpu.async_copy(
                        table_hbm.at[idx_v.at[h]], rows_v.at[hb], gsem.at[hb])

        for b in range(_NBUF):
            pltpu.make_async_copy(
                rows_v.at[b], out_hbm.at[pl.ds(base, c)], ssem.at[b]
            ).wait()

    return body(table, idx)


def kernel(inp, table):
    b0, s = inp.shape
    d = table.shape[1]
    idx = inp.astype(jnp.int32).reshape(_NW, -1, _C)
    out = _sc_gather(table, idx)
    return out.reshape(b0, s, d)

# --- scband reference (transcript-rebuilt; emitter-appended) ---
"""Pipeline reference for scband-adaptive-embedding-2413771620928 (READ-ONLY COPY).

The authoritative reference and input builder live on the scoring server;
editing this copy changes nothing except your own understanding.
"""

import jax, jax.numpy as jnp
import numpy as np

N_TOKEN = 100000
D_EMBED = 128
D_PROJ = 128

def setup_inputs(seed: int = 0) -> dict:
    key = jax.random.key(seed)
    k_inp, k_tab = jax.random.split(key)
    inp = jax.random.randint(k_inp, (4096, 200), 0, N_TOKEN, dtype=jnp.int64)
    table = jax.random.normal(k_tab, (N_TOKEN, D_EMBED), dtype=jnp.float32)
    return {"inp": inp, "table": table}

def reference(inp, table):
    # div_val == 1 path of AdaptiveEmbedding
    embed = jnp.take(table, inp, axis=0)
    # d_proj == d_embed, so no projection is applied (emb_projs is empty).
    # Note: the provided forward does NOT apply emb_scale in the div_val==1 path.
    return embed

if __name__ == "__main__":
    import jax
    _d = setup_inputs()
    print(jax.jit(kernel)(*tuple(_d.values())))

</pallas_src>

<mosaic_0001>
#map = affine_map<(d0, d1) -> (0, 0)>
#map1 = affine_map<(d0, d1) -> (0, 0, 0)>
module attributes {stable_mosaic.version = 14 : i64} {
  func.func @body(%arg0: i32, %arg1: i32, %arg2: memref<100000x128xf32, #tpu.memory_space<hbm>>, %arg3: memref<32x200x128xi32, #tpu.memory_space<hbm>>, %arg4: memref<819200x128xf32, #tpu.memory_space<hbm>>, %arg5: memref<200x128xi32, #tpu.memory_space<vmem>>, %arg6: memref<5x128x128xf32, #tpu.memory_space<vmem>>, %arg7: memref<5x!tpu.dma_semaphore, #tpu.memory_space<semaphore_mem>>, %arg8: memref<5x!tpu.dma_semaphore, #tpu.memory_space<semaphore_mem>>) attributes {dimension_semantics = [#tpu.dimension_semantics<core_parallel>, #tpu.dimension_semantics<subcore_parallel>], iteration_bounds = array<i64: 2, 16>, scalar_prefetch = 0 : i64, scratch_operands = 4 : i64, tpu.core_type = #tpu.core_type<sc_vector_subcore>, window_params = [{transform_indices = #map}, {transform_indices = #map1}, {transform_indices = #map}]} {
    %mul3A = arith.constant 2 : i32
    %mul3A_0 = arith.muli %arg1, %mul3A : i32
    %add3A = arith.addi %mul3A_0, %arg0 : i32
    %mul3A_1 = arith.constant 25600 : i32
    %mul3A_2 = arith.muli %add3A, %mul3A_1 : i32
    "tpu.region"() ({
      %run_scoped3A = tpu.sem_alloc : memref<!tpu.dma_semaphore, #tpu.memory_space<semaphore_mem>>
      %dma_start3A_130 = arith.constant 0 : i32
      %dma_start3A_131 = arith.constant 0 : i32
      %dma_start3A_132 = tpu.memref_slice %arg3[%add3A, %dma_start3A_130, %dma_start3A_131] : memref<32x200x128xi32, #tpu.memory_space<hbm>> -> memref<1x200x128xi32, #tpu.memory_space<hbm>>
      %dma_start3A_133 = tpu.memref_squeeze %dma_start3A_132 : memref<1x200x128xi32, #tpu.memory_space<hbm>> -> memref<200x128xi32, #tpu.memory_space<hbm>>
      %dma_start3A_134 = arith.constant 0 : i32
      %dma_start3A_135 = arith.constant 0 : i32
      %dma_start3A_136 = tpu.memref_slice %arg3[%add3A, %dma_start3A_134, %dma_start3A_135] : memref<32x200x128xi32, #tpu.memory_space<hbm>> -> memref<1x200x128xi32, #tpu.memory_space<hbm>>
      %dma_start3A_137 = tpu.memref_squeeze %dma_start3A_136 : memref<1x200x128xi32, #tpu.memory_space<hbm>> -> memref<200x128xi32, #tpu.memory_space<hbm>>
      tpu.enqueue_dma source(%dma_start3A_137 : memref<200x128xi32, #tpu.memory_space<hbm>>) target(%arg5 : memref<200x128xi32, #tpu.memory_space<vmem>>) target_semaphore(%run_scoped3A : memref<!tpu.dma_semaphore, #tpu.memory_space<semaphore_mem>>)
      %dma_wait3A_138 = arith.constant 0 : i32
      %dma_wait3A_139 = arith.constant 0 : i32
      %dma_wait3A_140 = tpu.memref_slice %arg3[%add3A, %dma_wait3A_138, %dma_wait3A_139] : memref<32x200x128xi32, #tpu.memory_space<hbm>> -> memref<1x200x128xi32, #tpu.memory_space<hbm>>
      %dma_wait3A_141 = tpu.memref_squeeze %dma_wait3A_140 : memref<1x200x128xi32, #tpu.memory_space<hbm>> -> memref<200x128xi32, #tpu.memory_space<hbm>>
      %dma_wait3A_142 = arith.constant 0 : i32
      %dma_wait3A_143 = arith.constant 0 : i32
      %dma_wait3A_144 = tpu.memref_slice %arg3[%add3A, %dma_wait3A_142, %dma_wait3A_143] : memref<32x200x128xi32, #tpu.memory_space<hbm>> -> memref<1x200x128xi32, #tpu.memory_space<hbm>>
      %dma_wait3A_145 = tpu.memref_squeeze %dma_wait3A_144 : memref<1x200x128xi32, #tpu.memory_space<hbm>> -> memref<200x128xi32, #tpu.memory_space<hbm>>
      tpu.wait_dma2 semaphore(%run_scoped3A : memref<!tpu.dma_semaphore, #tpu.memory_space<semaphore_mem>>) src(%dma_wait3A_145 : memref<200x128xi32, #tpu.memory_space<hbm>>) dst(%arg5 : memref<200x128xi32, #tpu.memory_space<vmem>>)
      tpu.yield
    }) : () -> ()
    %dma_start3A = arith.constant 0 : i32
    %dma_start3A_3 = arith.constant 0 : i32
    %dma_start3A_4 = arith.constant 0 : i32
    %dma_start3A_5 = arith.constant 0 : i32
    %dma_start3A_6 = arith.constant 0 : i32
    %dma_start3A_7 = tpu.memref_slice %arg6[%dma_start3A_3, %dma_start3A_5, %dma_start3A_6] : memref<5x128x128xf32, #tpu.memory_space<vmem>> -> memref<1x128x128xf32, #tpu.memory_space<vmem>>
    %dma_start3A_8 = tpu.memref_squeeze %dma_start3A_7 : memref<1x128x128xf32, #tpu.memory_space<vmem>> -> memref<128x128xf32, #tpu.memory_space<vmem>>
    %dma_start3A_9 = arith.constant 0 : i32
    %dma_start3A_10 = tpu.memref_slice %arg5[%dma_start3A, %dma_start3A_9] : memref<200x128xi32, #tpu.memory_space<vmem>> -> memref<1x128xi32, #tpu.memory_space<vmem>>
    %dma_start3A_11 = tpu.memref_squeeze %dma_start3A_10 : memref<1x128xi32, #tpu.memory_space<vmem>> -> memref<128xi32, #tpu.memory_space<vmem>>
    %dma_start3A_12 = arith.constant 0 : i32
    %dma_start3A_13 = arith.constant 0 : i32
    %dma_start3A_14 = tpu.memref_slice %arg2[%dma_start3A_12, %dma_start3A_13] : memref<100000x128xf32, #tpu.memory_space<hbm>> -> memref<100000x128xf32, #tpu.memory_space<hbm>>
    %dma_start3A_15 = tpu.memref_slice %arg7[%dma_start3A_4] : memref<5x!tpu.dma_semaphore, #tpu.memory_space<semaphore_mem>> -> memref<1x!tpu.dma_semaphore, #tpu.memory_space<semaphore_mem>>
    %dma_start3A_16 = tpu.memref_squeeze %dma_start3A_15 : memref<1x!tpu.dma_semaphore, #tpu.memory_space<semaphore_mem>> -> memref<!tpu.dma_semaphore, #tpu.memory_space<semaphore_mem>>
    tpu.enqueue_indirect_dma source(%dma_start3A_14 : memref<100000x128xf32, #tpu.memory_space<hbm>>) target(%dma_start3A_8 : memref<128x128xf32, #tpu.memory_space<vmem>>) offsets(%dma_start3A_11 : memref<128xi32, #tpu.memory_space<vmem>>) semaphore(%dma_start3A_16 : memref<!tpu.dma_semaphore, #tpu.memory_space<semaphore_mem>>)
    %dma_start3A_17 = arith.constant 1 : i32
    %dma_start3A_18 = arith.constant 1 : i32
    %dma_start3A_19 = arith.constant 1 : i32
    %dma_start3A_20 = arith.constant 0 : i32
    %dma_start3A_21 = arith.constant 0 : i32
    %dma_start3A_22 = tpu.memref_slice %arg6[%dma_start3A_18, %dma_start3A_20, %dma_start3A_21] : memref<5x128x128xf32, #tpu.memory_space<vmem>> -> memref<1x128x128xf32, #tpu.memory_space<vmem>>
    %dma_start3A_23 = tpu.memref_squeeze %dma_start3A_22 : memref<1x128x128xf32, #tpu.memory_space<vmem>> -> memref<128x128xf32, #tpu.memory_space<vmem>>
    %dma_start3A_24 = arith.constant 0 : i32
    %dma_start3A_25 = tpu.memref_slice %arg5[%dma_start3A_17, %dma_start3A_24] : memref<200x128xi32, #tpu.memory_space<vmem>> -> memref<1x128xi32, #tpu.memory_space<vmem>>
    %dma_start3A_26 = tpu.memref_squeeze %dma_start3A_25 : memref<1x128xi32, #tpu.memory_space<vmem>> -> memref<128xi32, #tpu.memory_space<vmem>>
    %dma_start3A_27 = arith.constant 0 : i32
    %dma_start3A_28 = arith.constant 0 : i32
    %dma_start3A_29 = tpu.memref_slice %arg2[%dma_start3A_27, %dma_start3A_28] : memref<100000x128xf32, #tpu.memory_space<hbm>> -> memref<100000x128xf32, #tpu.memory_space<hbm>>
    %dma_start3A_30 = tpu.memref_slice %arg7[%dma_start3A_19] : memref<5x!tpu.dma_semaphore, #tpu.memory_space<semaphore_mem>> -> memref<1x!tpu.dma_semaphore, #tpu.memory_space<semaphore_mem>>
    %dma_start3A_31 = tpu.memref_squeeze %dma_start3A_30 : memref<1x!tpu.dma_semaphore, #tpu.memory_space<semaphore_mem>> -> memref<!tpu.dma_semaphore, #tpu.memory_space<semaphore_mem>>
    tpu.enqueue_indirect_dma source(%dma_start3A_29 : memref<100000x128xf32, #tpu.memory_space<hbm>>) target(%dma_start3A_23 : memref<128x128xf32, #tpu.memory_space<vmem>>) offsets(%dma_start3A_26 : memref<128xi32, #tpu.memory_space<vmem>>) semaphore(%dma_start3A_31 : memref<!tpu.dma_semaphore, #tpu.memory_space<semaphore_mem>>)
    %dma_start3A_32 = arith.constant 2 : i32
    %dma_start3A_33 = arith.constant 2 : i32
    %dma_start3A_34 = arith.constant 2 : i32
    %dma_start3A_35 = arith.constant 0 : i32
    %dma_start3A_36 = arith.constant 0 : i32
    %dma_start3A_37 = tpu.memref_slice %arg6[%dma_start3A_33, %dma_start3A_35, %dma_start3A_36] : memref<5x128x128xf32, #tpu.memory_space<vmem>> -> memref<1x128x128xf32, #tpu.memory_space<vmem>>
    %dma_start3A_38 = tpu.memref_squeeze %dma_start3A_37 : memref<1x128x128xf32, #tpu.memory_space<vmem>> -> memref<128x128xf32, #tpu.memory_space<vmem>>
    %dma_start3A_39 = arith.constant 0 : i32
    %dma_start3A_40 = tpu.memref_slice %arg5[%dma_start3A_32, %dma_start3A_39] : memref<200x128xi32, #tpu.memory_space<vmem>> -> memref<1x128xi32, #tpu.memory_space<vmem>>
    %dma_start3A_41 = tpu.memref_squeeze %dma_start3A_40 : memref<1x128xi32, #tpu.memory_space<vmem>> -> memref<128xi32, #tpu.memory_space<vmem>>
    %dma_start3A_42 = arith.constant 0 : i32
    %dma_start3A_43 = arith.constant 0 : i32
    %dma_start3A_44 = tpu.memref_slice %arg2[%dma_start3A_42, %dma_start3A_43] : memref<100000x128xf32, #tpu.memory_space<hbm>> -> memref<100000x128xf32, #tpu.memory_space<hbm>>
    %dma_start3A_45 = tpu.memref_slice %arg7[%dma_start3A_34] : memref<5x!tpu.dma_semaphore, #tpu.memory_space<semaphore_mem>> -> memref<1x!tpu.dma_semaphore, #tpu.memory_space<semaphore_mem>>
    %dma_start3A_46 = tpu.memref_squeeze %dma_start3A_45 : memref<1x!tpu.dma_semaphore, #tpu.memory_space<semaphore_mem>> -> memref<!tpu.dma_semaphore, #tpu.memory_space<semaphore_mem>>
    tpu.enqueue_indirect_dma source(%dma_start3A_44 : memref<100000x128xf32, #tpu.memory_space<hbm>>) target(%dma_start3A_38 : memref<128x128xf32, #tpu.memory_space<vmem>>) offsets(%dma_start3A_41 : memref<128xi32, #tpu.memory_space<vmem>>) semaphore(%dma_start3A_46 : memref<!tpu.dma_semaphore, #tpu.memory_space<semaphore_mem>>)
    %scan3A = arith.constant 0 : i32
    %scan3A_47 = arith.constant 40 : i32
    %scan3A_48 = arith.addi %scan3A, %scan3A_47 : i32
    %scan3A_49 = arith.constant 1 : i32
    scf.for %scan3A_130 = %scan3A to %scan3A_48 step %scan3A_49  : i32 {
      %mul3A_131 = arith.constant 5 : i32
      %mul3A_132 = arith.muli %scan3A_130, %mul3A_131 : i32
      %add3A_133 = arith.constant 0 : i32
      %add3A_134 = arith.addi %add3A_133, %mul3A_132 : i32
      %add3A_135 = arith.constant 0 : i32
      %add3A_136 = arith.addi %add3A_134, %add3A_135 : i32
      %dma_wait3A_137 = arith.constant 0 : i32
      %dma_wait3A_138 = arith.constant 0 : i32
      %dma_wait3A_139 = arith.constant 0 : i32
      %dma_wait3A_140 = arith.constant 0 : i32
      %dma_wait3A_141 = tpu.memref_slice %arg6[%dma_wait3A_137, %dma_wait3A_139, %dma_wait3A_140] : memref<5x128x128xf32, #tpu.memory_space<vmem>> -> memref<1x128x128xf32, #tpu.memory_space<vmem>>
      %dma_wait3A_142 = tpu.memref_squeeze %dma_wait3A_141 : memref<1x128x128xf32, #tpu.memory_space<vmem>> -> memref<128x128xf32, #tpu.memory_space<vmem>>
      %dma_wait3A_143 = arith.constant 0 : i32
      %dma_wait3A_144 = arith.constant 0 : i32
      %dma_wait3A_145 = tpu.memref_slice %arg2[%dma_wait3A_143, %dma_wait3A_144] : memref<100000x128xf32, #tpu.memory_space<hbm>> -> memref<128x128xf32, #tpu.memory_space<hbm>>
      %dma_wait3A_146 = tpu.memref_slice %arg7[%dma_wait3A_138] : memref<5x!tpu.dma_semaphore, #tpu.memory_space<semaphore_mem>> -> memref<1x!tpu.dma_semaphore, #tpu.memory_space<semaphore_mem>>
      %dma_wait3A_147 = tpu.memref_squeeze %dma_wait3A_146 : memref<1x!tpu.dma_semaphore, #tpu.memory_space<semaphore_mem>> -> memref<!tpu.dma_semaphore, #tpu.memory_space<semaphore_mem>>
      %dma_wait3A_148 = arith.constant 0 : i32
      %dma_wait3A_149 = arith.constant 0 : i32
      %dma_wait3A_150 = tpu.memref_slice %arg6[%dma_wait3A_137, %dma_wait3A_148, %dma_wait3A_149] : memref<5x128x128xf32, #tpu.memory_space<vmem>> -> memref<1x128x128xf32, #tpu.memory_space<vmem>>
      %dma_wait3A_151 = tpu.memref_squeeze %dma_wait3A_150 : memref<1x128x128xf32, #tpu.memory_space<vmem>> -> memref<128x128xf32, #tpu.memory_space<vmem>>
      %dma_wait3A_152 = arith.constant 0 : i32
      %dma_wait3A_153 = arith.constant 0 : i32
      %dma_wait3A_154 = tpu.memref_slice %arg2[%dma_wait3A_152, %dma_wait3A_153] : memref<100000x128xf32, #tpu.memory_space<hbm>> -> memref<128x128xf32, #tpu.memory_space<hbm>>
      tpu.wait_dma2 semaphore(%dma_wait3A_147 : memref<!tpu.dma_semaphore, #tpu.memory_space<semaphore_mem>>) src(%dma_wait3A_154 : memref<128x128xf32, #tpu.memory_space<hbm>>) dst(%dma_wait3A_151 : memref<128x128xf32, #tpu.memory_space<vmem>>)
      %mul3A_155 = arith.constant 128 : i32
      %mul3A_156 = arith.muli %add3A_136, %mul3A_155 : i32
      %add3A_157 = arith.addi %mul3A_2, %mul3A_156 : i32
      %dma_start3A_158 = arith.constant 0 : i32
      %dma_start3A_159 = arith.constant 0 : i32
      %dma_start3A_160 = arith.constant 0 : i32
      %dma_start3A_161 = arith.constant 0 : i32
      %dma_start3A_162 = tpu.memref_slice %arg6[%dma_start3A_158, %dma_start3A_160, %dma_start3A_161] : memref<5x128x128xf32, #tpu.memory_space<vmem>> -> memref<1x128x128xf32, #tpu.memory_space<vmem>>
      %dma_start3A_163 = tpu.memref_squeeze %dma_start3A_162 : memref<1x128x128xf32, #tpu.memory_space<vmem>> -> memref<128x128xf32, #tpu.memory_space<vmem>>
      %dma_start3A_164 = arith.constant 0 : i32
      %dma_start3A_165 = tpu.memref_slice %arg4[%add3A_157, %dma_start3A_164] : memref<819200x128xf32, #tpu.memory_space<hbm>> -> memref<128x128xf32, #tpu.memory_space<hbm>>
      %dma_start3A_166 = tpu.memref_slice %arg8[%dma_start3A_159] : memref<5x!tpu.dma_semaphore, #tpu.memory_space<semaphore_mem>> -> memref<1x!tpu.dma_semaphore, #tpu.memory_space<semaphore_mem>>
      %dma_start3A_167 = tpu.memref_squeeze %dma_start3A_166 : memref<1x!tpu.dma_semaphore, #tpu.memory_space<semaphore_mem>> -> memref<!tpu.dma_semaphore, #tpu.memory_space<semaphore_mem>>
      %dma_start3A_168 = arith.constant 0 : i32
      %dma_start3A_169 = tpu.memref_slice %arg4[%add3A_157, %dma_start3A_168] : memref<819200x128xf32, #tpu.memory_space<hbm>> -> memref<128x128xf32, #tpu.memory_space<hbm>>
      %dma_start3A_170 = arith.constant 0 : i32
      %dma_start3A_171 = arith.constant 0 : i32
      %dma_start3A_172 = tpu.memref_slice %arg6[%dma_start3A_158, %dma_start3A_170, %dma_start3A_171] : memref<5x128x128xf32, #tpu.memory_space<vmem>> -> memref<1x128x128xf32, #tpu.memory_space<vmem>>
      %dma_start3A_173 = tpu.memref_squeeze %dma_start3A_172 : memref<1x128x128xf32, #tpu.memory_space<vmem>> -> memref<128x128xf32, #tpu.memory_space<vmem>>
      tpu.enqueue_dma source(%dma_start3A_173 : memref<128x128xf32, #tpu.memory_space<vmem>>) target(%dma_start3A_169 : memref<128x128xf32, #tpu.memory_space<hbm>>) target_semaphore(%dma_start3A_167 : memref<!tpu.dma_semaphore, #tpu.memory_space<semaphore_mem>>)
      %add3A_174 = arith.constant 3 : i32
      %add3A_175 = arith.addi %add3A_136, %add3A_174 : i32
      %lt3A = arith.constant 200 : i32
      %lt3A_176 = arith.cmpi slt, %add3A_175, %lt3A : i32
      %convert_element_type3A = arith.extui %lt3A_176 : i1 to i32
      %cond3A = arith.constant 0 : i32
      %cond3A_177 = arith.cmpi ne, %convert_element_type3A, %cond3A : i32
      scf.if %cond3A_177 {
        %ge3A = arith.constant 5 : i32
        %ge3A_362 = arith.cmpi sge, %add3A_175, %ge3A : i32
        %convert_element_type3A_363 = arith.extui %ge3A_362 : i1 to i32
        %cond3A_364 = arith.constant 0 : i32
        %cond3A_365 = arith.cmpi ne, %convert_element_type3A_363, %cond3A_364 : i32
        scf.if %cond3A_365 {
          %dma_wait3A_380 = arith.constant 3 : i32
          %dma_wait3A_381 = arith.constant 3 : i32
          %dma_wait3A_382 = arith.constant 0 : i32
          %dma_wait3A_383 = arith.constant 0 : i32
          %dma_wait3A_384 = tpu.memref_slice %arg6[%dma_wait3A_380, %dma_wait3A_382, %dma_wait3A_383] : memref<5x128x128xf32, #tpu.memory_space<vmem>> -> memref<1x128x128xf32, #tpu.memory_space<vmem>>
          %dma_wait3A_385 = tpu.memref_squeeze %dma_wait3A_384 : memref<1x128x128xf32, #tpu.memory_space<vmem>> -> memref<128x128xf32, #tpu.memory_space<vmem>>
          %dma_wait3A_386 = arith.constant 0 : i32
          %dma_wait3A_387 = tpu.memref_slice %arg4[%mul3A_2, %dma_wait3A_386] : memref<819200x128xf32, #tpu.memory_space<hbm>> -> memref<128x128xf32, #tpu.memory_space<hbm>>
          %dma_wait3A_388 = tpu.memref_slice %arg8[%dma_wait3A_381] : memref<5x!tpu.dma_semaphore, #tpu.memory_space<semaphore_mem>> -> memref<1x!tpu.dma_semaphore, #tpu.memory_space<semaphore_mem>>
          %dma_wait3A_389 = tpu.memref_squeeze %dma_wait3A_388 : memref<1x!tpu.dma_semaphore, #tpu.memory_space<semaphore_mem>> -> memref<!tpu.dma_semaphore, #tpu.memory_space<semaphore_mem>>
          %dma_wait3A_390 = arith.constant 0 : i32
          %dma_wait3A_391 = tpu.memref_slice %arg4[%mul3A_2, %dma_wait3A_390] : memref<819200x128xf32, #tpu.memory_space<hbm>> -> memref<128x128xf32, #tpu.memory_space<hbm>>
          %dma_wait3A_392 = arith.constant 0 : i32
          %dma_wait3A_393 = arith.constant 0 : i32
          %dma_wait3A_394 = tpu.memref_slice %arg6[%dma_wait3A_380, %dma_wait3A_392, %dma_wait3A_393] : memref<5x128x128xf32, #tpu.memory_space<vmem>> -> memref<1x128x128xf32, #tpu.memory_space<vmem>>
          %dma_wait3A_395 = tpu.memref_squeeze %dma_wait3A_394 : memref<1x128x128xf32, #tpu.memory_space<vmem>> -> memref<128x128xf32, #tpu.memory_space<vmem>>
          tpu.wait_dma2 semaphore(%dma_wait3A_389 : memref<!tpu.dma_semaphore, #tpu.memory_space<semaphore_mem>>) src(%dma_wait3A_395 : memref<128x128xf32, #tpu.memory_space<vmem>>) dst(%dma_wait3A_391 : memref<128x128xf32, #tpu.memory_space<hbm>>)
        } else {
        }
        %dma_start3A_366 = arith.constant 3 : i32
        %dma_start3A_367 = arith.constant 3 : i32
        %dma_start3A_368 = arith.constant 0 : i32
        %dma_start3A_369 = arith.constant 0 : i32
        %dma_start3A_370 = tpu.memref_slice %arg6[%dma_start3A_366, %dma_start3A_368, %dma_start3A_369] : memref<5x128x128xf32, #tpu.memory_space<vmem>> -> memref<1x128x128xf32, #tpu.memory_space<vmem>>
        %dma_start3A_371 = tpu.memref_squeeze %dma_start3A_370 : memref<1x128x128xf32, #tpu.memory_space<vmem>> -> memref<128x128xf32, #tpu.memory_space<vmem>>
        %dma_start3A_372 = arith.constant 0 : i32
        %dma_start3A_373 = tpu.memref_slice %arg5[%add3A_175, %dma_start3A_372] : memref<200x128xi32, #tpu.memory_space<vmem>> -> memref<1x128xi32, #tpu.memory_space<vmem>>
        %dma_start3A_374 = tpu.memref_squeeze %dma_start3A_373 : memref<1x128xi32, #tpu.memory_space<vmem>> -> memref<128xi32, #tpu.memory_space<vmem>>
        %dma_start3A_375 = arith.constant 0 : i32
        %dma_start3A_376 = arith.constant 0 : i32
        %dma_start3A_377 = tpu.memref_slice %arg2[%dma_start3A_375, %dma_start3A_376] : memref<100000x128xf32, #tpu.memory_space<hbm>> -> memref<100000x128xf32, #tpu.memory_space<hbm>>
        %dma_start3A_378 = tpu.memref_slice %arg7[%dma_start3A_367] : memref<5x!tpu.dma_semaphore, #tpu.memory_space<semaphore_mem>> -> memref<1x!tpu.dma_semaphore, #tpu.memory_space<semaphore_mem>>
        %dma_start3A_379 = tpu.memref_squeeze %dma_start3A_378 : memref<1x!tpu.dma_semaphore, #tpu.memory_space<semaphore_mem>> -> memref<!tpu.dma_semaphore, #tpu.memory_space<semaphore_mem>>
        tpu.enqueue_indirect_dma source(%dma_start3A_377 : memref<100000x128xf32, #tpu.memory_space<hbm>>) target(%dma_start3A_371 : memref<128x128xf32, #tpu.memory_space<vmem>>) offsets(%dma_start3A_374 : memref<128xi32, #tpu.memory_space<vmem>>) semaphore(%dma_start3A_379 : memref<!tpu.dma_semaphore, #tpu.memory_space<semaphore_mem>>)
      } else {
      }
      %add3A_178 = arith.constant 1 : i32
      %add3A_179 = arith.addi %add3A_134, %add3A_178 : i32
      %dma_wait3A_180 = arith.constant 1 : i32
      %dma_wait3A_181 = arith.constant 1 : i32
      %dma_wait3A_182 = arith.constant 0 : i32
      %dma_wait3A_183 = arith.constant 0 : i32
      %dma_wait3A_184 = tpu.memref_slice %arg6[%dma_wait3A_180, %dma_wait3A_182, %dma_wait3A_183] : memref<5x128x128xf32, #tpu.memory_space<vmem>> -> memref<1x128x128xf32, #tpu.memory_space<vmem>>
      %dma_wait3A_185 = tpu.memref_squeeze %dma_wait3A_184 : memref<1x128x128xf32, #tpu.memory_space<vmem>> -> memref<128x128xf32, #tpu.memory_space<vmem>>
      %dma_wait3A_186 = arith.constant 0 : i32
      %dma_wait3A_187 = arith.constant 0 : i32
      %dma_wait3A_188 = tpu.memref_slice %arg2[%dma_wait3A_186, %dma_wait3A_187] : memref<100000x128xf32, #tpu.memory_space<hbm>> -> memref<128x128xf32, #tpu.memory_space<hbm>>
      %dma_wait3A_189 = tpu.memref_slice %arg7[%dma_wait3A_181] : memref<5x!tpu.dma_semaphore, #tpu.memory_space<semaphore_mem>> -> memref<1x!tpu.dma_semaphore, #tpu.memory_space<semaphore_mem>>
      %dma_wait3A_190 = tpu.memref_squeeze %dma_wait3A_189 : memref<1x!tpu.dma_semaphore, #tpu.memory_space<semaphore_mem>> -> memref<!tpu.dma_semaphore, #tpu.memory_space<semaphore_mem>>
      %dma_wait3A_191 = arith.constant 0 : i32
      %dma_wait3A_192 = arith.constant 0 : i32
      %dma_wait3A_193 = tpu.memref_slice %arg6[%dma_wait3A_180, %dma_wait3A_191, %dma_wait3A_192] : memref<5x128x128xf32, #tpu.memory_space<vmem>> -> memref<1x128x128xf32, #tpu.memory_space<vmem>>
      %dma_wait3A_194 = tpu.memref_squeeze %dma_wait3A_193 : memref<1x128x128xf32, #tpu.memory_space<vmem>> -> memref<128x128xf32, #tpu.memory_space<vmem>>
      %dma_wait3A_195 = arith.constant 0 : i32
      %dma_wait3A_196 = arith.constant 0 : i32
      %dma_wait3A_197 = tpu.memref_slice %arg2[%dma_wait3A_195, %dma_wait3A_196] : memref<100000x128xf32, #tpu.memory_space<hbm>> -> memref<128x128xf32, #tpu.memory_space<hbm>>
      tpu.wait_dma2 semaphore(%dma_wait3A_190 : memref<!tpu.dma_semaphore, #tpu.memory_space<semaphore_mem>>) src(%dma_wait3A_197 : memref<128x128xf32, #tpu.memory_space<hbm>>) dst(%dma_wait3A_194 : memref<128x128xf32, #tpu.memory_space<vmem>>)
      %mul3A_198 = arith.constant 128 : i32
      %mul3A_199 = arith.muli %add3A_179, %mul3A_198 : i32
      %add3A_200 = arith.addi %mul3A_2, %mul3A_199 : i32
      %dma_start3A_201 = arith.constant 1 : i32
      %dma_start3A_202 = arith.constant 1 : i32
      %dma_start3A_203 = arith.constant 0 : i32
      %dma_start3A_204 = arith.constant 0 : i32
      %dma_start3A_205 = tpu.memref_slice %arg6[%dma_start3A_201, %dma_start3A_203, %dma_start3A_204] : memref<5x128x128xf32, #tpu.memory_space<vmem>> -> memref<1x128x128xf32, #tpu.memory_space<vmem>>
      %dma_start3A_206 = tpu.memref_squeeze %dma_start3A_205 : memref<1x128x128xf32, #tpu.memory_space<vmem>> -> memref<128x128xf32, #tpu.memory_space<vmem>>
      %dma_start3A_207 = arith.constant 0 : i32
      %dma_start3A_208 = tpu.memref_slice %arg4[%add3A_200, %dma_start3A_207] : memref<819200x128xf32, #tpu.memory_space<hbm>> -> memref<128x128xf32, #tpu.memory_space<hbm>>
      %dma_start3A_209 = tpu.memref_slice %arg8[%dma_start3A_202] : memref<5x!tpu.dma_semaphore, #tpu.memory_space<semaphore_mem>> -> memref<1x!tpu.dma_semaphore, #tpu.memory_space<semaphore_mem>>
      %dma_start3A_210 = tpu.memref_squeeze %dma_start3A_209 : memref<1x!tpu.dma_semaphore, #tpu.memory_space<semaphore_mem>> -> memref<!tpu.dma_semaphore, #tpu.memory_space<semaphore_mem>>
      %dma_start3A_211 = arith.constant 0 : i32
      %dma_start3A_212 = tpu.memref_slice %arg4[%add3A_200, %dma_start3A_211] : memref<819200x128xf32, #tpu.memory_space<hbm>> -> memref<128x128xf32, #tpu.memory_space<hbm>>
      %dma_start3A_213 = arith.constant 0 : i32
      %dma_start3A_214 = arith.constant 0 : i32
      %dma_start3A_215 = tpu.memref_slice %arg6[%dma_start3A_201, %dma_start3A_213, %dma_start3A_214] : memref<5x128x128xf32, #tpu.memory_space<vmem>> -> memref<1x128x128xf32, #tpu.memory_space<vmem>>
      %dma_start3A_216 = tpu.memref_squeeze %dma_start3A_215 : memref<1x128x128xf32, #tpu.memory_space<vmem>> -> memref<128x128xf32, #tpu.memory_space<vmem>>
      tpu.enqueue_dma source(%dma_start3A_216 : memref<128x128xf32, #tpu.memory_space<vmem>>) target(%dma_start3A_212 : memref<128x128xf32, #tpu.memory_space<hbm>>) target_semaphore(%dma_start3A_210 : memref<!tpu.dma_semaphore, #tpu.memory_space<semaphore_mem>>)
      %add3A_217 = arith.constant 3 : i32
      %add3A_218 = arith.addi %add3A_179, %add3A_217 : i32
      %lt3A_219 = arith.constant 200 : i32
      %lt3A_220 = arith.cmpi slt, %add3A_218, %lt3A_219 : i32
      %convert_element_type3A_221 = arith.extui %lt3A_220 : i1 to i32
      %cond3A_222 = arith.constant 0 : i32
      %cond3A_223 = arith.cmpi ne, %convert_element_type3A_221, %cond3A_222 : i32
      scf.if %cond3A_223 {
        %ge3A = arith.constant 5 : i32
        %ge3A_362 = arith.cmpi sge, %add3A_218, %ge3A : i32
        %convert_element_type3A_363 = arith.extui %ge3A_362 : i1 to i32
        %cond3A_364 = arith.constant 0 : i32
        %cond3A_365 = arith.cmpi ne, %convert_element_type3A_363, %cond3A_364 : i32
        scf.if %cond3A_365 {
          %dma_wait3A_380 = arith.constant 4 : i32
          %dma_wait3A_381 = arith.constant 4 : i32
          %dma_wait3A_382 = arith.constant 0 : i32
          %dma_wait3A_383 = arith.constant 0 : i32
          %dma_wait3A_384 = tpu.memref_slice %arg6[%dma_wait3A_380, %dma_wait3A_382, %dma_wait3A_383] : memref<5x128x128xf32, #tpu.memory_space<vmem>> -> memref<1x128x128xf32, #tpu.memory_space<vmem>>
          %dma_wait3A_385 = tpu.memref_squeeze %dma_wait3A_384 : memref<1x128x128xf32, #tpu.memory_space<vmem>> -> memref<128x128xf32, #tpu.memory_space<vmem>>
          %dma_wait3A_386 = arith.constant 0 : i32
          %dma_wait3A_387 = tpu.memref_slice %arg4[%mul3A_2, %dma_wait3A_386] : memref<819200x128xf32, #tpu.memory_space<hbm>> -> memref<128x128xf32, #tpu.memory_space<hbm>>
          %dma_wait3A_388 = tpu.memref_slice %arg8[%dma_wait3A_381] : memref<5x!tpu.dma_semaphore, #tpu.memory_space<semaphore_mem>> -> memref<1x!tpu.dma_semaphore, #tpu.memory_space<semaphore_mem>>
          %dma_wait3A_389 = tpu.memref_squeeze %dma_wait3A_388 : memref<1x!tpu.dma_semaphore, #tpu.memory_space<semaphore_mem>> -> memref<!tpu.dma_semaphore, #tpu.memory_space<semaphore_mem>>
          %dma_wait3A_390 = arith.constant 0 : i32
          %dma_wait3A_391 = tpu.memref_slice %arg4[%mul3A_2, %dma_wait3A_390] : memref<819200x128xf32, #tpu.memory_space<hbm>> -> memref<128x128xf32, #tpu.memory_space<hbm>>
          %dma_wait3A_392 = arith.constant 0 : i32
          %dma_wait3A_393 = arith.constant 0 : i32
          %dma_wait3A_394 = tpu.memref_slice %arg6[%dma_wait3A_380, %dma_wait3A_392, %dma_wait3A_393] : memref<5x128x128xf32, #tpu.memory_space<vmem>> -> memref<1x128x128xf32, #tpu.memory_space<vmem>>
          %dma_wait3A_395 = tpu.memref_squeeze %dma_wait3A_394 : memref<1x128x128xf32, #tpu.memory_space<vmem>> -> memref<128x128xf32, #tpu.memory_space<vmem>>
          tpu.wait_dma2 semaphore(%dma_wait3A_389 : memref<!tpu.dma_semaphore, #tpu.memory_space<semaphore_mem>>) src(%dma_wait3A_395 : memref<128x128xf32, #tpu.memory_space<vmem>>) dst(%dma_wait3A_391 : memref<128x128xf32, #tpu.memory_space<hbm>>)
        } else {
        }
        %dma_start3A_366 = arith.constant 4 : i32
        %dma_start3A_367 = arith.constant 4 : i32
        %dma_start3A_368 = arith.constant 0 : i32
        %dma_start3A_369 = arith.constant 0 : i32
        %dma_start3A_370 = tpu.memref_slice %arg6[%dma_start3A_366, %dma_start3A_368, %dma_start3A_369] : memref<5x128x128xf32, #tpu.memory_space<vmem>> -> memref<1x128x128xf32, #tpu.memory_space<vmem>>
        %dma_start3A_371 = tpu.memref_squeeze %dma_start3A_370 : memref<1x128x128xf32, #tpu.memory_space<vmem>> -> memref<128x128xf32, #tpu.memory_space<vmem>>
        %dma_start3A_372 = arith.constant 0 : i32
        %dma_start3A_373 = tpu.memref_slice %arg5[%add3A_218, %dma_start3A_372] : memref<200x128xi32, #tpu.memory_space<vmem>> -> memref<1x128xi32, #tpu.memory_space<vmem>>
        %dma_start3A_374 = tpu.memref_squeeze %dma_start3A_373 : memref<1x128xi32, #tpu.memory_space<vmem>> -> memref<128xi32, #tpu.memory_space<vmem>>
        %dma_start3A_375 = arith.constant 0 : i32
        %dma_start3A_376 = arith.constant 0 : i32
        %dma_start3A_377 = tpu.memref_slice %arg2[%dma_start3A_375, %dma_start3A_376] : memref<100000x128xf32, #tpu.memory_space<hbm>> -> memref<100000x128xf32, #tpu.memory_space<hbm>>
        %dma_start3A_378 = tpu.memref_slice %arg7[%dma_start3A_367] : memref<5x!tpu.dma_semaphore, #tpu.memory_space<semaphore_mem>> -> memref<1x!tpu.dma_semaphore, #tpu.memory_space<semaphore_mem>>
        %dma_start3A_379 = tpu.memref_squeeze %dma_start3A_378 : memref<1x!tpu.dma_semaphore, #tpu.memory_space<semaphore_mem>> -> memref<!tpu.dma_semaphore, #tpu.memory_space<semaphore_mem>>
        tpu.enqueue_indirect_dma source(%dma_start3A_377 : memref<100000x128xf32, #tpu.memory_space<hbm>>) target(%dma_start3A_371 : memref<128x128xf32, #tpu.memory_space<vmem>>) offsets(%dma_start3A_374 : memref<128xi32, #tpu.memory_space<vmem>>) semaphore(%dma_start3A_379 : memref<!tpu.dma_semaphore, #tpu.memory_space<semaphore_mem>>)
      } else {
      }
      %add3A_224 = arith.constant 2 : i32
      %add3A_225 = arith.addi %add3A_134, %add3A_224 : i32
      %dma_wait3A_226 = arith.constant 2 : i32
      %dma_wait3A_227 = arith.constant 2 : i32
      %dma_wait3A_228 = arith.constant 0 : i32
      %dma_wait3A_229 = arith.constant 0 : i32
      %dma_wait3A_230 = tpu.memref_slice %arg6[%dma_wait3A_226, %dma_wait3A_228, %dma_wait3A_229] : memref<5x128x128xf32, #tpu.memory_space<vmem>> -> memref<1x128x128xf32, #tpu.memory_space<vmem>>
      %dma_wait3A_231 = tpu.memref_squeeze %dma_wait3A_230 : memref<1x128x128xf32, #tpu.memory_space<vmem>> -> memref<128x128xf32, #tpu.memory_space<vmem>>
      %dma_wait3A_232 = arith.constant 0 : i32
      %dma_wait3A_233 = arith.constant 0 : i32
      %dma_wait3A_234 = tpu.memref_slice %arg2[%dma_wait3A_232, %dma_wait3A_233] : memref<100000x128xf32, #tpu.memory_space<hbm>> -> memref<128x128xf32, #tpu.memory_space<hbm>>
      %dma_wait3A_235 = tpu.memref_slice %arg7[%dma_wait3A_227] : memref<5x!tpu.dma_semaphore, #tpu.memory_space<semaphore_mem>> -> memref<1x!tpu.dma_semaphore, #tpu.memory_space<semaphore_mem>>
      %dma_wait3A_236 = tpu.memref_squeeze %dma_wait3A_235 : memref<1x!tpu.dma_semaphore, #tpu.memory_space<semaphore_mem>> -> memref<!tpu.dma_semaphore, #tpu.memory_space<semaphore_mem>>
      %dma_wait3A_237 = arith.constant 0 : i32
      %dma_wait3A_238 = arith.constant 0 : i32
      %dma_wait3A_239 = tpu.memref_slice %arg6[%dma_wait3A_226, %dma_wait3A_237, %dma_wait3A_238] : memref<5x128x128xf32, #tpu.memory_space<vmem>> -> memref<1x128x128xf32, #tpu.memory_space<vmem>>
      %dma_wait3A_240 = tpu.memref_squeeze %dma_wait3A_239 : memref<1x128x128xf32, #tpu.memory_space<vmem>> -> memref<128x128xf32, #tpu.memory_space<vmem>>
      %dma_wait3A_241 = arith.constant 0 : i32
      %dma_wait3A_242 = arith.constant 0 : i32
      %dma_wait3A_243 = tpu.memref_slice %arg2[%dma_wait3A_241, %dma_wait3A_242] : memref<100000x128xf32, #tpu.memory_space<hbm>> -> memref<128x128xf32, #tpu.memory_space<hbm>>
      tpu.wait_dma2 semaphore(%dma_wait3A_236 : memref<!tpu.dma_semaphore, #tpu.memory_space<semaphore_mem>>) src(%dma_wait3A_243 : memref<128x128xf32, #tpu.memory_space<hbm>>) dst(%dma_wait3A_240 : memref<128x128xf32, #tpu.memory_space<vmem>>)
      %mul3A_244 = arith.constant 128 : i32
      %mul3A_245 = arith.muli %add3A_225, %mul3A_244 : i32
      %add3A_246 = arith.addi %mul3A_2, %mul3A_245 : i32
      %dma_start3A_247 = arith.constant 2 : i32
      %dma_start3A_248 = arith.constant 2 : i32
      %dma_start3A_249 = arith.constant 0 : i32
      %dma_start3A_250 = arith.constant 0 : i32
      %dma_start3A_251 = tpu.memref_slice %arg6[%dma_start3A_247, %dma_start3A_249, %dma_start3A_250] : memref<5x128x128xf32, #tpu.memory_space<vmem>> -> memref<1x128x128xf32, #tpu.memory_space<vmem>>
      %dma_start3A_252 = tpu.memref_squeeze %dma_start3A_251 : memref<1x128x128xf32, #tpu.memory_space<vmem>> -> memref<128x128xf32, #tpu.memory_space<vmem>>
      %dma_start3A_253 = arith.constant 0 : i32
      %dma_start3A_254 = tpu.memref_slice %arg4[%add3A_246, %dma_start3A_253] : memref<819200x128xf32, #tpu.memory_space<hbm>> -> memref<128x128xf32, #tpu.memory_space<hbm>>
      %dma_start3A_255 = tpu.memref_slice %arg8[%dma_start3A_248] : memref<5x!tpu.dma_semaphore, #tpu.memory_space<semaphore_mem>> -> memref<1x!tpu.dma_semaphore, #tpu.memory_space<semaphore_mem>>
      %dma_start3A_256 = tpu.memref_squeeze %dma_start3A_255 : memref<1x!tpu.dma_semaphore, #tpu.memory_space<semaphore_mem>> -> memref<!tpu.dma_semaphore, #tpu.memory_space<semaphore_mem>>
      %dma_start3A_257 = arith.constant 0 : i32
      %dma_start3A_258 = tpu.memref_slice %arg4[%add3A_246, %dma_start3A_257] : memref<819200x128xf32, #tpu.memory_space<hbm>> -> memref<128x128xf32, #tpu.memory_space<hbm>>
      %dma_start3A_259 = arith.constant 0 : i32
      %dma_start3A_260 = arith.constant 0 : i32
      %dma_start3A_261 = tpu.memref_slice %arg6[%dma_start3A_247, %dma_start3A_259, %dma_start3A_260] : memref<5x128x128xf32, #tpu.memory_space<vmem>> -> memref<1x128x128xf32, #tpu.memory_space<vmem>>
      %dma_start3A_262 = tpu.memref_squeeze %dma_start3A_261 : memref<1x128x128xf32, #tpu.memory_space<vmem>> -> memref<128x128xf32, #tpu.memory_space<vmem>>
      tpu.enqueue_dma source(%dma_start3A_262 : memref<128x128xf32, #tpu.memory_space<vmem>>) target(%dma_start3A_258 : memref<128x128xf32, #tpu.memory_space<hbm>>) target_semaphore(%dma_start3A_256 : memref<!tpu.dma_semaphore, #tpu.memory_space<semaphore_mem>>)
      %add3A_263 = arith.constant 3 : i32
      %add3A_264 = arith.addi %add3A_225, %add3A_263 : i32
      %lt3A_265 = arith.constant 200 : i32
      %lt3A_266 = arith.cmpi slt, %add3A_264, %lt3A_265 : i32
      %convert_element_type3A_267 = arith.extui %lt3A_266 : i1 to i32
      %cond3A_268 = arith.constant 0 : i32
      %cond3A_269 = arith.cmpi ne, %convert_element_type3A_267, %cond3A_268 : i32
      scf.if %cond3A_269 {
        %ge3A = arith.constant 5 : i32
        %ge3A_362 = arith.cmpi sge, %add3A_264, %ge3A : i32
        %convert_element_type3A_363 = arith.extui %ge3A_362 : i1 to i32
        %cond3A_364 = arith.constant 0 : i32
        %cond3A_365 = arith.cmpi ne, %convert_element_type3A_363, %cond3A_364 : i32
        scf.if %cond3A_365 {
          %dma_wait3A_380 = arith.constant 0 : i32
          %dma_wait3A_381 = arith.constant 0 : i32
          %dma_wait3A_382 = arith.constant 0 : i32
          %dma_wait3A_383 = arith.constant 0 : i32
          %dma_wait3A_384 = tpu.memref_slice %arg6[%dma_wait3A_380, %dma_wait3A_382, %dma_wait3A_383] : memref<5x128x128xf32, #tpu.memory_space<vmem>> -> memref<1x128x128xf32, #tpu.memory_space<vmem>>
          %dma_wait3A_385 = tpu.memref_squeeze %dma_wait3A_384 : memref<1x128x128xf32, #tpu.memory_space<vmem>> -> memref<128x128xf32, #tpu.memory_space<vmem>>
          %dma_wait3A_386 = arith.constant 0 : i32
          %dma_wait3A_387 = tpu.memref_slice %arg4[%mul3A_2, %dma_wait3A_386] : memref<819200x128xf32, #tpu.memory_space<hbm>> -> memref<128x128xf32, #tpu.memory_space<hbm>>
          %dma_wait3A_388 = tpu.memref_slice %arg8[%dma_wait3A_381] : memref<5x!tpu.dma_semaphore, #tpu.memory_space<semaphore_mem>> -> memref<1x!tpu.dma_semaphore, #tpu.memory_space<semaphore_mem>>
          %dma_wait3A_389 = tpu.memref_squeeze %dma_wait3A_388 : memref<1x!tpu.dma_semaphore, #tpu.memory_space<semaphore_mem>> -> memref<!tpu.dma_semaphore, #tpu.memory_space<semaphore_mem>>
          %dma_wait3A_390 = arith.constant 0 : i32
          %dma_wait3A_391 = tpu.memref_slice %arg4[%mul3A_2, %dma_wait3A_390] : memref<819200x128xf32, #tpu.memory_space<hbm>> -> memref<128x128xf32, #tpu.memory_space<hbm>>
          %dma_wait3A_392 = arith.constant 0 : i32
          %dma_wait3A_393 = arith.constant 0 : i32
          %dma_wait3A_394 = tpu.memref_slice %arg6[%dma_wait3A_380, %dma_wait3A_392, %dma_wait3A_393] : memref<5x128x128xf32, #tpu.memory_space<vmem>> -> memref<1x128x128xf32, #tpu.memory_space<vmem>>
          %dma_wait3A_395 = tpu.memref_squeeze %dma_wait3A_394 : memref<1x128x128xf32, #tpu.memory_space<vmem>> -> memref<128x128xf32, #tpu.memory_space<vmem>>
          tpu.wait_dma2 semaphore(%dma_wait3A_389 : memref<!tpu.dma_semaphore, #tpu.memory_space<semaphore_mem>>) src(%dma_wait3A_395 : memref<128x128xf32, #tpu.memory_space<vmem>>) dst(%dma_wait3A_391 : memref<128x128xf32, #tpu.memory_space<hbm>>)
        } else {
        }
        %dma_start3A_366 = arith.constant 0 : i32
        %dma_start3A_367 = arith.constant 0 : i32
        %dma_start3A_368 = arith.constant 0 : i32
        %dma_start3A_369 = arith.constant 0 : i32
        %dma_start3A_370 = tpu.memref_slice %arg6[%dma_start3A_366, %dma_start3A_368, %dma_start3A_369] : memref<5x128x128xf32, #tpu.memory_space<vmem>> -> memref<1x128x128xf32, #tpu.memory_space<vmem>>
        %dma_start3A_371 = tpu.memref_squeeze %dma_start3A_370 : memref<1x128x128xf32, #tpu.memory_space<vmem>> -> memref<128x128xf32, #tpu.memory_space<vmem>>
        %dma_start3A_372 = arith.constant 0 : i32
        %dma_start3A_373 = tpu.memref_slice %arg5[%add3A_264, %dma_start3A_372] : memref<200x128xi32, #tpu.memory_space<vmem>> -> memref<1x128xi32, #tpu.memory_space<vmem>>
        %dma_start3A_374 = tpu.memref_squeeze %dma_start3A_373 : memref<1x128xi32, #tpu.memory_space<vmem>> -> memref<128xi32, #tpu.memory_space<vmem>>
        %dma_start3A_375 = arith.constant 0 : i32
        %dma_start3A_376 = arith.constant 0 : i32
        %dma_start3A_377 = tpu.memref_slice %arg2[%dma_start3A_375, %dma_start3A_376] : memref<100000x128xf32, #tpu.memory_space<hbm>> -> memref<100000x128xf32, #tpu.memory_space<hbm>>
        %dma_start3A_378 = tpu.memref_slice %arg7[%dma_start3A_367] : memref<5x!tpu.dma_semaphore, #tpu.memory_space<semaphore_mem>> -> memref<1x!tpu.dma_semaphore, #tpu.memory_space<semaphore_mem>>
        %dma_start3A_379 = tpu.memref_squeeze %dma_start3A_378 : memref<1x!tpu.dma_semaphore, #tpu.memory_space<semaphore_mem>> -> memref<!tpu.dma_semaphore, #tpu.memory_space<semaphore_mem>>
        tpu.enqueue_indirect_dma source(%dma_start3A_377 : memref<100000x128xf32, #tpu.memory_space<hbm>>) target(%dma_start3A_371 : memref<128x128xf32, #tpu.memory_space<vmem>>) offsets(%dma_start3A_374 : memref<128xi32, #tpu.memory_space<vmem>>) semaphore(%dma_start3A_379 : memref<!tpu.dma_semaphore, #tpu.memory_space<semaphore_mem>>)
      } else {
      }
      %add3A_270 = arith.constant 3 : i32
      %add3A_271 = arith.addi %add3A_134, %add3A_270 : i32
      %dma_wait3A_272 = arith.constant 3 : i32
      %dma_wait3A_273 = arith.constant 3 : i32
      %dma_wait3A_274 = arith.constant 0 : i32
      %dma_wait3A_275 = arith.constant 0 : i32
      %dma_wait3A_276 = tpu.memref_slice %arg6[%dma_wait3A_272, %dma_wait3A_274, %dma_wait3A_275] : memref<5x128x128xf32, #tpu.memory_space<vmem>> -> memref<1x128x128xf32, #tpu.memory_space<vmem>>
      %dma_wait3A_277 = tpu.memref_squeeze %dma_wait3A_276 : memref<1x128x128xf32, #tpu.memory_space<vmem>> -> memref<128x128xf32, #tpu.memory_space<vmem>>
      %dma_wait3A_278 = arith.constant 0 : i32
      %dma_wait3A_279 = arith.constant 0 : i32
      %dma_wait3A_280 = tpu.memref_slice %arg2[%dma_wait3A_278, %dma_wait3A_279] : memref<100000x128xf32, #tpu.memory_space<hbm>> -> memref<128x128xf32, #tpu.memory_space<hbm>>
      %dma_wait3A_281 = tpu.memref_slice %arg7[%dma_wait3A_273] : memref<5x!tpu.dma_semaphore, #tpu.memory_space<semaphore_mem>> -> memref<1x!tpu.dma_semaphore, #tpu.memory_space<semaphore_mem>>
      %dma_wait3A_282 = tpu.memref_squeeze %dma_wait3A_281 : memref<1x!tpu.dma_semaphore, #tpu.memory_space<semaphore_mem>> -> memref<!tpu.dma_semaphore, #tpu.memory_space<semaphore_mem>>
      %dma_wait3A_283 = arith.constant 0 : i32
      %dma_wait3A_284 = arith.constant 0 : i32
      %dma_wait3A_285 = tpu.memref_slice %arg6[%dma_wait3A_272, %dma_wait3A_283, %dma_wait3A_284] : memref<5x128x128xf32, #tpu.memory_space<vmem>> -> memref<1x128x128xf32, #tpu.memory_space<vmem>>
      %dma_wait3A_286 = tpu.memref_squeeze %dma_wait3A_285 : memref<1x128x128xf32, #tpu.memory_space<vmem>> -> memref<128x128xf32, #tpu.memory_space<vmem>>
      %dma_wait3A_287 = arith.constant 0 : i32
      %dma_wait3A_288 = arith.constant 0 : i32
      %dma_wait3A_289 = tpu.memref_slice %arg2[%dma_wait3A_287, %dma_wait3A_288] : memref<100000x128xf32, #tpu.memory_space<hbm>> -> memref<128x128xf32, #tpu.memory_space<hbm>>
      tpu.wait_dma2 semaphore(%dma_wait3A_282 : memref<!tpu.dma_semaphore, #tpu.memory_space<semaphore_mem>>) src(%dma_wait3A_289 : memref<128x128xf32, #tpu.memory_space<hbm>>) dst(%dma_wait3A_286 : memref<128x128xf32, #tpu.memory_space<vmem>>)
      %mul3A_290 = arith.constant 128 : i32
      %mul3A_291 = arith.muli %add3A_271, %mul3A_290 : i32
      %add3A_292 = arith.addi %mul3A_2, %mul3A_291 : i32
      %dma_start3A_293 = arith.constant 3 : i32
      %dma_start3A_294 = arith.constant 3 : i32
      %dma_start3A_295 = arith.constant 0 : i32
      %dma_start3A_296 = arith.constant 0 : i32
      %dma_start3A_297 = tpu.memref_slice %arg6[%dma_start3A_293, %dma_start3A_295, %dma_start3A_296] : memref<5x128x128xf32, #tpu.memory_space<vmem>> -> memref<1x128x128xf32, #tpu.memory_space<vmem>>
      %dma_start3A_298 = tpu.memref_squeeze %dma_start3A_297 : memref<1x128x128xf32, #tpu.memory_space<vmem>> -> memref<128x128xf32, #tpu.memory_space<vmem>>
      %dma_start3A_299 = arith.constant 0 : i32
      %dma_start3A_300 = tpu.memref_slice %arg4[%add3A_292, %dma_start3A_299] : memref<819200x128xf32, #tpu.memory_space<hbm>> -> memref<128x128xf32, #tpu.memory_space<hbm>>
      %dma_start3A_301 = tpu.memref_slice %arg8[%dma_start3A_294] : memref<5x!tpu.dma_semaphore, #tpu.memory_space<semaphore_mem>> -> memref<1x!tpu.dma_semaphore, #tpu.memory_space<semaphore_mem>>
      %dma_start3A_302 = tpu.memref_squeeze %dma_start3A_301 : memref<1x!tpu.dma_semaphore, #tpu.memory_space<semaphore_mem>> -> memref<!tpu.dma_semaphore, #tpu.memory_space<semaphore_mem>>
      %dma_start3A_303 = arith.constant 0 : i32
      %dma_start3A_304 = tpu.memref_slice %arg4[%add3A_292, %dma_start3A_303] : memref<819200x128xf32, #tpu.memory_space<hbm>> -> memref<128x128xf32, #tpu.memory_space<hbm>>
      %dma_start3A_305 = arith.constant 0 : i32
      %dma_start3A_306 = arith.constant 0 : i32
      %dma_start3A_307 = tpu.memref_slice %arg6[%dma_start3A_293, %dma_start3A_305, %dma_start3A_306] : memref<5x128x128xf32, #tpu.memory_space<vmem>> -> memref<1x128x128xf32, #tpu.memory_space<vmem>>
      %dma_start3A_308 = tpu.memref_squeeze %dma_start3A_307 : memref<1x128x128xf32, #tpu.memory_space<vmem>> -> memref<128x128xf32, #tpu.memory_space<vmem>>
      tpu.enqueue_dma source(%dma_start3A_308 : memref<128x128xf32, #tpu.memory_space<vmem>>) target(%dma_start3A_304 : memref<128x128xf32, #tpu.memory_space<hbm>>) target_semaphore(%dma_start3A_302 : memref<!tpu.dma_semaphore, #tpu.memory_space<semaphore_mem>>)
      %add3A_309 = arith.constant 3 : i32
      %add3A_310 = arith.addi %add3A_271, %add3A_309 : i32
      %lt3A_311 = arith.constant 200 : i32
      %lt3A_312 = arith.cmpi slt, %add3A_310, %lt3A_311 : i32
      %convert_element_type3A_313 = arith.extui %lt3A_312 : i1 to i32
      %cond3A_314 = arith.constant 0 : i32
      %cond3A_315 = arith.cmpi ne, %convert_element_type3A_313, %cond3A_314 : i32
      scf.if %cond3A_315 {
        %ge3A = arith.constant 5 : i32
        %ge3A_362 = arith.cmpi sge, %add3A_310, %ge3A : i32
        %convert_element_type3A_363 = arith.extui %ge3A_362 : i1 to i32
        %cond3A_364 = arith.constant 0 : i32
        %cond3A_365 = arith.cmpi ne, %convert_element_type3A_363, %cond3A_364 : i32
        scf.if %cond3A_365 {
          %dma_wait3A_380 = arith.constant 1 : i32
          %dma_wait3A_381 = arith.constant 1 : i32
          %dma_wait3A_382 = arith.constant 0 : i32
          %dma_wait3A_383 = arith.constant 0 : i32
          %dma_wait3A_384 = tpu.memref_slice %arg6[%dma_wait3A_380, %dma_wait3A_382, %dma_wait3A_383] : memref<5x128x128xf32, #tpu.memory_space<vmem>> -> memref<1x128x128xf32, #tpu.memory_space<vmem>>
          %dma_wait3A_385 = tpu.memref_squeeze %dma_wait3A_384 : memref<1x128x128xf32, #tpu.memory_space<vmem>> -> memref<128x128xf32, #tpu.memory_space<vmem>>
          %dma_wait3A_386 = arith.constant 0 : i32
          %dma_wait3A_387 = tpu.memref_slice %arg4[%mul3A_2, %dma_wait3A_386] : memref<819200x128xf32, #tpu.memory_space<hbm>> -> memref<128x128xf32, #tpu.memory_space<hbm>>
          %dma_wait3A_388 = tpu.memref_slice %arg8[%dma_wait3A_381] : memref<5x!tpu.dma_semaphore, #tpu.memory_space<semaphore_mem>> -> memref<1x!tpu.dma_semaphore, #tpu.memory_space<semaphore_mem>>
          %dma_wait3A_389 = tpu.memref_squeeze %dma_wait3A_388 : memref<1x!tpu.dma_semaphore, #tpu.memory_space<semaphore_mem>> -> memref<!tpu.dma_semaphore, #tpu.memory_space<semaphore_mem>>
          %dma_wait3A_390 = arith.constant 0 : i32
          %dma_wait3A_391 = tpu.memref_slice %arg4[%mul3A_2, %dma_wait3A_390] : memref<819200x128xf32, #tpu.memory_space<hbm>> -> memref<128x128xf32, #tpu.memory_space<hbm>>
          %dma_wait3A_392 = arith.constant 0 : i32
          %dma_wait3A_393 = arith.constant 0 : i32
          %dma_wait3A_394 = tpu.memref_slice %arg6[%dma_wait3A_380, %dma_wait3A_392, %dma_wait3A_393] : memref<5x128x128xf32, #tpu.memory_space<vmem>> -> memref<1x128x128xf32, #tpu.memory_space<vmem>>
          %dma_wait3A_395 = tpu.memref_squeeze %dma_wait3A_394 : memref<1x128x128xf32, #tpu.memory_space<vmem>> -> memref<128x128xf32, #tpu.memory_space<vmem>>
          tpu.wait_dma2 semaphore(%dma_wait3A_389 : memref<!tpu.dma_semaphore, #tpu.memory_space<semaphore_mem>>) src(%dma_wait3A_395 : memref<128x128xf32, #tpu.memory_space<vmem>>) dst(%dma_wait3A_391 : memref<128x128xf32, #tpu.memory_space<hbm>>)
        } else {
        }
        %dma_start3A_366 = arith.constant 1 : i32
        %dma_start3A_367 = arith.constant 1 : i32
        %dma_start3A_368 = arith.constant 0 : i32
        %dma_start3A_369 = arith.constant 0 : i32
        %dma_start3A_370 = tpu.memref_slice %arg6[%dma_start3A_366, %dma_start3A_368, %dma_start3A_369] : memref<5x128x128xf32, #tpu.memory_space<vmem>> -> memref<1x128x128xf32, #tpu.memory_space<vmem>>
        %dma_start3A_371 = tpu.memref_squeeze %dma_start3A_370 : memref<1x128x128xf32, #tpu.memory_space<vmem>> -> memref<128x128xf32, #tpu.memory_space<vmem>>
        %dma_start3A_372 = arith.constant 0 : i32
        %dma_start3A_373 = tpu.memref_slice %arg5[%add3A_310, %dma_start3A_372] : memref<200x128xi32, #tpu.memory_space<vmem>> -> memref<1x128xi32, #tpu.memory_space<vmem>>
        %dma_start3A_374 = tpu.memref_squeeze %dma_start3A_373 : memref<1x128xi32, #tpu.memory_space<vmem>> -> memref<128xi32, #tpu.memory_space<vmem>>
        %dma_start3A_375 = arith.constant 0 : i32
        %dma_start3A_376 = arith.constant 0 : i32
        %dma_start3A_377 = tpu.memref_slice %arg2[%dma_start3A_375, %dma_start3A_376] : memref<100000x128xf32, #tpu.memory_space<hbm>> -> memref<100000x128xf32, #tpu.memory_space<hbm>>
        %dma_start3A_378 = tpu.memref_slice %arg7[%dma_start3A_367] : memref<5x!tpu.dma_semaphore, #tpu.memory_space<semaphore_mem>> -> memref<1x!tpu.dma_semaphore, #tpu.memory_space<semaphore_mem>>
        %dma_start3A_379 = tpu.memref_squeeze %dma_start3A_378 : memref<1x!tpu.dma_semaphore, #tpu.memory_space<semaphore_mem>> -> memref<!tpu.dma_semaphore, #tpu.memory_space<semaphore_mem>>
        tpu.enqueue_indirect_dma source(%dma_start3A_377 : memref<100000x128xf32, #tpu.memory_space<hbm>>) target(%dma_start3A_371 : memref<128x128xf32, #tpu.memory_space<vmem>>) offsets(%dma_start3A_374 : memref<128xi32, #tpu.memory_space<vmem>>) semaphore(%dma_start3A_379 : memref<!tpu.dma_semaphore, #tpu.memory_space<semaphore_mem>>)
      } else {
      }
      %add3A_316 = arith.constant 4 : i32
      %add3A_317 = arith.addi %add3A_134, %add3A_316 : i32
      %dma_wait3A_318 = arith.constant 4 : i32
      %dma_wait3A_319 = arith.constant 4 : i32
      %dma_wait3A_320 = arith.constant 0 : i32
      %dma_wait3A_321 = arith.constant 0 : i32
      %dma_wait3A_322 = tpu.memref_slice %arg6[%dma_wait3A_318, %dma_wait3A_320, %dma_wait3A_321] : memref<5x128x128xf32, #tpu.memory_space<vmem>> -> memref<1x128x128xf32, #tpu.memory_space<vmem>>
      %dma_wait3A_323 = tpu.memref_squeeze %dma_wait3A_322 : memref<1x128x128xf32, #tpu.memory_space<vmem>> -> memref<128x128xf32, #tpu.memory_space<vmem>>
      %dma_wait3A_324 = arith.constant 0 : i32
      %dma_wait3A_325 = arith.constant 0 : i32
      %dma_wait3A_326 = tpu.memref_slice %arg2[%dma_wait3A_324, %dma_wait3A_325] : memref<100000x128xf32, #tpu.memory_space<hbm>> -> memref<128x128xf32, #tpu.memory_space<hbm>>
      %dma_wait3A_327 = tpu.memref_slice %arg7[%dma_wait3A_319] : memref<5x!tpu.dma_semaphore, #tpu.memory_space<semaphore_mem>> -> memref<1x!tpu.dma_semaphore, #tpu.memory_space<semaphore_mem>>
      %dma_wait3A_328 = tpu.memref_squeeze %dma_wait3A_327 : memref<1x!tpu.dma_semaphore, #tpu.memory_space<semaphore_mem>> -> memref<!tpu.dma_semaphore, #tpu.memory_space<semaphore_mem>>
      %dma_wait3A_329 = arith.constant 0 : i32
      %dma_wait3A_330 = arith.constant 0 : i32
      %dma_wait3A_331 = tpu.memref_slice %arg6[%dma_wait3A_318, %dma_wait3A_329, %dma_wait3A_330] : memref<5x128x128xf32, #tpu.memory_space<vmem>> -> memref<1x128x128xf32, #tpu.memory_space<vmem>>
      %dma_wait3A_332 = tpu.memref_squeeze %dma_wait3A_331 : memref<1x128x128xf32, #tpu.memory_space<vmem>> -> memref<128x128xf32, #tpu.memory_space<vmem>>
      %dma_wait3A_333 = arith.constant 0 : i32
      %dma_wait3A_334 = arith.constant 0 : i32
      %dma_wait3A_335 = tpu.memref_slice %arg2[%dma_wait3A_333, %dma_wait3A_334] : memref<100000x128xf32, #tpu.memory_space<hbm>> -> memref<128x128xf32, #tpu.memory_space<hbm>>
      tpu.wait_dma2 semaphore(%dma_wait3A_328 : memref<!tpu.dma_semaphore, #tpu.memory_space<semaphore_mem>>) src(%dma_wait3A_335 : memref<128x128xf32, #tpu.memory_space<hbm>>) dst(%dma_wait3A_332 : memref<128x128xf32, #tpu.memory_space<vmem>>)
      %mul3A_336 = arith.constant 128 : i32
      %mul3A_337 = arith.muli %add3A_317, %mul3A_336 : i32
      %add3A_338 = arith.addi %mul3A_2, %mul3A_337 : i32
      %dma_start3A_339 = arith.constant 4 : i32
      %dma_start3A_340 = arith.constant 4 : i32
      %dma_start3A_341 = arith.constant 0 : i32
      %dma_start3A_342 = arith.constant 0 : i32
      %dma_start3A_343 = tpu.memref_slice %arg6[%dma_start3A_339, %dma_start3A_341, %dma_start3A_342] : memref<5x128x128xf32, #tpu.memory_space<vmem>> -> memref<1x128x128xf32, #tpu.memory_space<vmem>>
      %dma_start3A_344 = tpu.memref_squeeze %dma_start3A_343 : memref<1x128x128xf32, #tpu.memory_space<vmem>> -> memref<128x128xf32, #tpu.memory_space<vmem>>
      %dma_start3A_345 = arith.constant 0 : i32
      %dma_start3A_346 = tpu.memref_slice %arg4[%add3A_338, %dma_start3A_345] : memref<819200x128xf32, #tpu.memory_space<hbm>> -> memref<128x128xf32, #tpu.memory_space<hbm>>
      %dma_start3A_347 = tpu.memref_slice %arg8[%dma_start3A_340] : memref<5x!tpu.dma_semaphore, #tpu.memory_space<semaphore_mem>> -> memref<1x!tpu.dma_semaphore, #tpu.memory_space<semaphore_mem>>
      %dma_start3A_348 = tpu.memref_squeeze %dma_start3A_347 : memref<1x!tpu.dma_semaphore, #tpu.memory_space<semaphore_mem>> -> memref<!tpu.dma_semaphore, #tpu.memory_space<semaphore_mem>>
      %dma_start3A_349 = arith.constant 0 : i32
      %dma_start3A_350 = tpu.memref_slice %arg4[%add3A_338, %dma_start3A_349] : memref<819200x128xf32, #tpu.memory_space<hbm>> -> memref<128x128xf32, #tpu.memory_space<hbm>>
      %dma_start3A_351 = arith.constant 0 : i32
      %dma_start3A_352 = arith.constant 0 : i32
      %dma_start3A_353 = tpu.memref_slice %arg6[%dma_start3A_339, %dma_start3A_351, %dma_start3A_352] : memref<5x128x128xf32, #tpu.memory_space<vmem>> -> memref<1x128x128xf32, #tpu.memory_space<vmem>>
      %dma_start3A_354 = tpu.memref_squeeze %dma_start3A_353 : memref<1x128x128xf32, #tpu.memory_space<vmem>> -> memref<128x128xf32, #tpu.memory_space<vmem>>
      tpu.enqueue_dma source(%dma_start3A_354 : memref<128x128xf32, #tpu.memory_space<vmem>>) target(%dma_start3A_350 : memref<128x128xf32, #tpu.memory_space<hbm>>) target_semaphore(%dma_start3A_348 : memref<!tpu.dma_semaphore, #tpu.memory_space<semaphore_mem>>)
      %add3A_355 = arith.constant 3 : i32
      %add3A_356 = arith.addi %add3A_317, %add3A_355 : i32
      %lt3A_357 = arith.constant 200 : i32
      %lt3A_358 = arith.cmpi slt, %add3A_356, %lt3A_357 : i32
      %convert_element_type3A_359 = arith.extui %lt3A_358 : i1 to i32
      %cond3A_360 = arith.constant 0 : i32
      %cond3A_361 = arith.cmpi ne, %convert_element_type3A_359, %cond3A_360 : i32
      scf.if %cond3A_361 {
        %ge3A = arith.constant 5 : i32
        %ge3A_362 = arith.cmpi sge, %add3A_356, %ge3A : i32
        %convert_element_type3A_363 = arith.extui %ge3A_362 : i1 to i32
        %cond3A_364 = arith.constant 0 : i32
        %cond3A_365 = arith.cmpi ne, %convert_element_type3A_363, %cond3A_364 : i32
        scf.if %cond3A_365 {
          %dma_wait3A_380 = arith.constant 2 : i32
          %dma_wait3A_381 = arith.constant 2 : i32
          %dma_wait3A_382 = arith.constant 0 : i32
          %dma_wait3A_383 = arith.constant 0 : i32
          %dma_wait3A_384 = tpu.memref_slice %arg6[%dma_wait3A_380, %dma_wait3A_382, %dma_wait3A_383] : memref<5x128x128xf32, #tpu.memory_space<vmem>> -> memref<1x128x128xf32, #tpu.memory_space<vmem>>
          %dma_wait3A_385 = tpu.memref_squeeze %dma_wait3A_384 : memref<1x128x128xf32, #tpu.memory_space<vmem>> -> memref<128x128xf32, #tpu.memory_space<vmem>>
          %dma_wait3A_386 = arith.constant 0 : i32
          %dma_wait3A_387 = tpu.memref_slice %arg4[%mul3A_2, %dma_wait3A_386] : memref<819200x128xf32, #tpu.memory_space<hbm>> -> memref<128x128xf32, #tpu.memory_space<hbm>>
          %dma_wait3A_388 = tpu.memref_slice %arg8[%dma_wait3A_381] : memref<5x!tpu.dma_semaphore, #tpu.memory_space<semaphore_mem>> -> memref<1x!tpu.dma_semaphore, #tpu.memory_space<semaphore_mem>>
          %dma_wait3A_389 = tpu.memref_squeeze %dma_wait3A_388 : memref<1x!tpu.dma_semaphore, #tpu.memory_space<semaphore_mem>> -> memref<!tpu.dma_semaphore, #tpu.memory_space<semaphore_mem>>
          %dma_wait3A_390 = arith.constant 0 : i32
          %dma_wait3A_391 = tpu.memref_slice %arg4[%mul3A_2, %dma_wait3A_390] : memref<819200x128xf32, #tpu.memory_space<hbm>> -> memref<128x128xf32, #tpu.memory_space<hbm>>
          %dma_wait3A_392 = arith.constant 0 : i32
          %dma_wait3A_393 = arith.constant 0 : i32
          %dma_wait3A_394 = tpu.memref_slice %arg6[%dma_wait3A_380, %dma_wait3A_392, %dma_wait3A_393] : memref<5x128x128xf32, #tpu.memory_space<vmem>> -> memref<1x128x128xf32, #tpu.memory_space<vmem>>
          %dma_wait3A_395 = tpu.memref_squeeze %dma_wait3A_394 : memref<1x128x128xf32, #tpu.memory_space<vmem>> -> memref<128x128xf32, #tpu.memory_space<vmem>>
          tpu.wait_dma2 semaphore(%dma_wait3A_389 : memref<!tpu.dma_semaphore, #tpu.memory_space<semaphore_mem>>) src(%dma_wait3A_395 : memref<128x128xf32, #tpu.memory_space<vmem>>) dst(%dma_wait3A_391 : memref<128x128xf32, #tpu.memory_space<hbm>>)
        } else {
        }
        %dma_start3A_366 = arith.constant 2 : i32
        %dma_start3A_367 = arith.constant 2 : i32
        %dma_start3A_368 = arith.constant 0 : i32
        %dma_start3A_369 = arith.constant 0 : i32
        %dma_start3A_370 = tpu.memref_slice %arg6[%dma_start3A_366, %dma_start3A_368, %dma_start3A_369] : memref<5x128x128xf32, #tpu.memory_space<vmem>> -> memref<1x128x128xf32, #tpu.memory_space<vmem>>
        %dma_start3A_371 = tpu.memref_squeeze %dma_start3A_370 : memref<1x128x128xf32, #tpu.memory_space<vmem>> -> memref<128x128xf32, #tpu.memory_space<vmem>>
        %dma_start3A_372 = arith.constant 0 : i32
        %dma_start3A_373 = tpu.memref_slice %arg5[%add3A_356, %dma_start3A_372] : memref<200x128xi32, #tpu.memory_space<vmem>> -> memref<1x128xi32, #tpu.memory_space<vmem>>
        %dma_start3A_374 = tpu.memref_squeeze %dma_start3A_373 : memref<1x128xi32, #tpu.memory_space<vmem>> -> memref<128xi32, #tpu.memory_space<vmem>>
        %dma_start3A_375 = arith.constant 0 : i32
        %dma_start3A_376 = arith.constant 0 : i32
        %dma_start3A_377 = tpu.memref_slice %arg2[%dma_start3A_375, %dma_start3A_376] : memref<100000x128xf32, #tpu.memory_space<hbm>> -> memref<100000x128xf32, #tpu.memory_space<hbm>>
        %dma_start3A_378 = tpu.memref_slice %arg7[%dma_start3A_367] : memref<5x!tpu.dma_semaphore, #tpu.memory_space<semaphore_mem>> -> memref<1x!tpu.dma_semaphore, #tpu.memory_space<semaphore_mem>>
        %dma_start3A_379 = tpu.memref_squeeze %dma_start3A_378 : memref<1x!tpu.dma_semaphore, #tpu.memory_space<semaphore_mem>> -> memref<!tpu.dma_semaphore, #tpu.memory_space<semaphore_mem>>
        tpu.enqueue_indirect_dma source(%dma_start3A_377 : memref<100000x128xf32, #tpu.memory_space<hbm>>) target(%dma_start3A_371 : memref<128x128xf32, #tpu.memory_space<vmem>>) offsets(%dma_start3A_374 : memref<128xi32, #tpu.memory_space<vmem>>) semaphore(%dma_start3A_379 : memref<!tpu.dma_semaphore, #tpu.memory_space<semaphore_mem>>)
      } else {
      }
    }
    %scan3A_50 = arith.constant 40 : i32
    %dma_wait3A = arith.constant 0 : i32
    %dma_wait3A_51 = arith.constant 0 : i32
    %dma_wait3A_52 = arith.constant 0 : i32
    %dma_wait3A_53 = arith.constant 0 : i32
    %dma_wait3A_54 = tpu.memref_slice %arg6[%dma_wait3A, %dma_wait3A_52, %dma_wait3A_53] : memref<5x128x128xf32, #tpu.memory_space<vmem>> -> memref<1x128x128xf32, #tpu.memory_space<vmem>>
    %dma_wait3A_55 = tpu.memref_squeeze %dma_wait3A_54 : memref<1x128x128xf32, #tpu.memory_space<vmem>> -> memref<128x128xf32, #tpu.memory_space<vmem>>
    %dma_wait3A_56 = arith.constant 0 : i32
    %dma_wait3A_57 = tpu.memref_slice %arg4[%mul3A_2, %dma_wait3A_56] : memref<819200x128xf32, #tpu.memory_space<hbm>> -> memref<128x128xf32, #tpu.memory_space<hbm>>
    %dma_wait3A_58 = tpu.memref_slice %arg8[%dma_wait3A_51] : memref<5x!tpu.dma_semaphore, #tpu.memory_space<semaphore_mem>> -> memref<1x!tpu.dma_semaphore, #tpu.memory_space<semaphore_mem>>
    %dma_wait3A_59 = tpu.memref_squeeze %dma_wait3A_58 : memref<1x!tpu.dma_semaphore, #tpu.memory_space<semaphore_mem>> -> memref<!tpu.dma_semaphore, #tpu.memory_space<semaphore_mem>>
    %dma_wait3A_60 = arith.constant 0 : i32
    %dma_wait3A_61 = tpu.memref_slice %arg4[%mul3A_2, %dma_wait3A_60] : memref<819200x128xf32, #tpu.memory_space<hbm>> -> memref<128x128xf32, #tpu.memory_space<hbm>>
    %dma_wait3A_62 = arith.constant 0 : i32
    %dma_wait3A_63 = arith.constant 0 : i32
    %dma_wait3A_64 = tpu.memref_slice %arg6[%dma_wait3A, %dma_wait3A_62, %dma_wait3A_63] : memref<5x128x128xf32, #tpu.memory_space<vmem>> -> memref<1x128x128xf32, #tpu.memory_space<vmem>>
    %dma_wait3A_65 = tpu.memref_squeeze %dma_wait3A_64 : memref<1x128x128xf32, #tpu.memory_space<vmem>> -> memref<128x128xf32, #tpu.memory_space<vmem>>
    tpu.wait_dma2 semaphore(%dma_wait3A_59 : memref<!tpu.dma_semaphore, #tpu.memory_space<semaphore_mem>>) src(%dma_wait3A_65 : memref<128x128xf32, #tpu.memory_space<vmem>>) dst(%dma_wait3A_61 : memref<128x128xf32, #tpu.memory_space<hbm>>)
    %dma_wait3A_66 = arith.constant 1 : i32
    %dma_wait3A_67 = arith.constant 1 : i32
    %dma_wait3A_68 = arith.constant 0 : i32
    %dma_wait3A_69 = arith.constant 0 : i32
    %dma_wait3A_70 = tpu.memref_slice %arg6[%dma_wait3A_66, %dma_wait3A_68, %dma_wait3A_69] : memref<5x128x128xf32, #tpu.memory_space<vmem>> -> memref<1x128x128xf32, #tpu.memory_space<vmem>>
    %dma_wait3A_71 = tpu.memref_squeeze %dma_wait3A_70 : memref<1x128x128xf32, #tpu.memory_space<vmem>> -> memref<128x128xf32, #tpu.memory_space<vmem>>
    %dma_wait3A_72 = arith.constant 0 : i32
    %dma_wait3A_73 = tpu.memref_slice %arg4[%mul3A_2, %dma_wait3A_72] : memref<819200x128xf32, #tpu.memory_space<hbm>> -> memref<128x128xf32, #tpu.memory_space<hbm>>
    %dma_wait3A_74 = tpu.memref_slice %arg8[%dma_wait3A_67] : memref<5x!tpu.dma_semaphore, #tpu.memory_space<semaphore_mem>> -> memref<1x!tpu.dma_semaphore, #tpu.memory_space<semaphore_mem>>
    %dma_wait3A_75 = tpu.memref_squeeze %dma_wait3A_74 : memref<1x!tpu.dma_semaphore, #tpu.memory_space<semaphore_mem>> -> memref<!tpu.dma_semaphore, #tpu.memory_space<semaphore_mem>>
    %dma_wait3A_76 = arith.constant 0 : i32
    %dma_wait3A_77 = tpu.memref_slice %arg4[%mul3A_2, %dma_wait3A_76] : memref<819200x128xf32, #tpu.memory_space<hbm>> -> memref<128x128xf32, #tpu.memory_space<hbm>>
    %dma_wait3A_78 = arith.constant 0 : i32
    %dma_wait3A_79 = arith.constant 0 : i32
    %dma_wait3A_80 = tpu.memref_slice %arg6[%dma_wait3A_66, %dma_wait3A_78, %dma_wait3A_79] : memref<5x128x128xf32, #tpu.memory_space<vmem>> -> memref<1x128x128xf32, #tpu.memory_space<vmem>>
    %dma_wait3A_81 = tpu.memref_squeeze %dma_wait3A_80 : memref<1x128x128xf32, #tpu.memory_space<vmem>> -> memref<128x128xf32, #tpu.memory_space<vmem>>
    tpu.wait_dma2 semaphore(%dma_wait3A_75 : memref<!tpu.dma_semaphore, #tpu.memory_space<semaphore_mem>>) src(%dma_wait3A_81 : memref<128x128xf32, #tpu.memory_space<vmem>>) dst(%dma_wait3A_77 : memref<128x128xf32, #tpu.memory_space<hbm>>)
    %dma_wait3A_82 = arith.constant 2 : i32
    %dma_wait3A_83 = arith.constant 2 : i32
    %dma_wait3A_84 = arith.constant 0 : i32
    %dma_wait3A_85 = arith.constant 0 : i32
    %dma_wait3A_86 = tpu.memref_slice %arg6[%dma_wait3A_82, %dma_wait3A_84, %dma_wait3A_85] : memref<5x128x128xf32, #tpu.memory_space<vmem>> -> memref<1x128x128xf32, #tpu.memory_space<vmem>>
    %dma_wait3A_87 = tpu.memref_squeeze %dma_wait3A_86 : memref<1x128x128xf32, #tpu.memory_space<vmem>> -> memref<128x128xf32, #tpu.memory_space<vmem>>
    %dma_wait3A_88 = arith.constant 0 : i32
    %dma_wait3A_89 = tpu.memref_slice %arg4[%mul3A_2, %dma_wait3A_88] : memref<819200x128xf32, #tpu.memory_space<hbm>> -> memref<128x128xf32, #tpu.memory_space<hbm>>
    %dma_wait3A_90 = tpu.memref_slice %arg8[%dma_wait3A_83] : memref<5x!tpu.dma_semaphore, #tpu.memory_space<semaphore_mem>> -> memref<1x!tpu.dma_semaphore, #tpu.memory_space<semaphore_mem>>
    %dma_wait3A_91 = tpu.memref_squeeze %dma_wait3A_90 : memref<1x!tpu.dma_semaphore, #tpu.memory_space<semaphore_mem>> -> memref<!tpu.dma_semaphore, #tpu.memory_space<semaphore_mem>>
    %dma_wait3A_92 = arith.constant 0 : i32
    %dma_wait3A_93 = tpu.memref_slice %arg4[%mul3A_2, %dma_wait3A_92] : memref<819200x128xf32, #tpu.memory_space<hbm>> -> memref<128x128xf32, #tpu.memory_space<hbm>>
    %dma_wait3A_94 = arith.constant 0 : i32
    %dma_wait3A_95 = arith.constant 0 : i32
    %dma_wait3A_96 = tpu.memref_slice %arg6[%dma_wait3A_82, %dma_wait3A_94, %dma_wait3A_95] : memref<5x128x128xf32, #tpu.memory_space<vmem>> -> memref<1x128x128xf32, #tpu.memory_space<vmem>>
    %dma_wait3A_97 = tpu.memref_squeeze %dma_wait3A_96 : memref<1x128x128xf32, #tpu.memory_space<vmem>> -> memref<128x128xf32, #tpu.memory_space<vmem>>
    tpu.wait_dma2 semaphore(%dma_wait3A_91 : memref<!tpu.dma_semaphore, #tpu.memory_space<semaphore_mem>>) src(%dma_wait3A_97 : memref<128x128xf32, #tpu.memory_space<vmem>>) dst(%dma_wait3A_93 : memref<128x128xf32, #tpu.memory_space<hbm>>)
    %dma_wait3A_98 = arith.constant 3 : i32
    %dma_wait3A_99 = arith.constant 3 : i32
    %dma_wait3A_100 = arith.constant 0 : i32
    %dma_wait3A_101 = arith.constant 0 : i32
    %dma_wait3A_102 = tpu.memref_slice %arg6[%dma_wait3A_98, %dma_wait3A_100, %dma_wait3A_101] : memref<5x128x128xf32, #tpu.memory_space<vmem>> -> memref<1x128x128xf32, #tpu.memory_space<vmem>>
    %dma_wait3A_103 = tpu.memref_squeeze %dma_wait3A_102 : memref<1x128x128xf32, #tpu.memory_space<vmem>> -> memref<128x128xf32, #tpu.memory_space<vmem>>
    %dma_wait3A_104 = arith.constant 0 : i32
    %dma_wait3A_105 = tpu.memref_slice %arg4[%mul3A_2, %dma_wait3A_104] : memref<819200x128xf32, #tpu.memory_space<hbm>> -> memref<128x128xf32, #tpu.memory_space<hbm>>
    %dma_wait3A_106 = tpu.memref_slice %arg8[%dma_wait3A_99] : memref<5x!tpu.dma_semaphore, #tpu.memory_space<semaphore_mem>> -> memref<1x!tpu.dma_semaphore, #tpu.memory_space<semaphore_mem>>
    %dma_wait3A_107 = tpu.memref_squeeze %dma_wait3A_106 : memref<1x!tpu.dma_semaphore, #tpu.memory_space<semaphore_mem>> -> memref<!tpu.dma_semaphore, #tpu.memory_space<semaphore_mem>>
    %dma_wait3A_108 = arith.constant 0 : i32
    %dma_wait3A_109 = tpu.memref_slice %arg4[%mul3A_2, %dma_wait3A_108] : memref<819200x128xf32, #tpu.memory_space<hbm>> -> memref<128x128xf32, #tpu.memory_space<hbm>>
    %dma_wait3A_110 = arith.constant 0 : i32
    %dma_wait3A_111 = arith.constant 0 : i32
    %dma_wait3A_112 = tpu.memref_slice %arg6[%dma_wait3A_98, %dma_wait3A_110, %dma_wait3A_111] : memref<5x128x128xf32, #tpu.memory_space<vmem>> -> memref<1x128x128xf32, #tpu.memory_space<vmem>>
    %dma_wait3A_113 = tpu.memref_squeeze %dma_wait3A_112 : memref<1x128x128xf32, #tpu.memory_space<vmem>> -> memref<128x128xf32, #tpu.memory_space<vmem>>
    tpu.wait_dma2 semaphore(%dma_wait3A_107 : memref<!tpu.dma_semaphore, #tpu.memory_space<semaphore_mem>>) src(%dma_wait3A_113 : memref<128x128xf32, #tpu.memory_space<vmem>>) dst(%dma_wait3A_109 : memref<128x128xf32, #tpu.memory_space<hbm>>)
    %dma_wait3A_114 = arith.constant 4 : i32
    %dma_wait3A_115 = arith.constant 4 : i32
    %dma_wait3A_116 = arith.constant 0 : i32
    %dma_wait3A_117 = arith.constant 0 : i32
    %dma_wait3A_118 = tpu.memref_slice %arg6[%dma_wait3A_114, %dma_wait3A_116, %dma_wait3A_117] : memref<5x128x128xf32, #tpu.memory_space<vmem>> -> memref<1x128x128xf32, #tpu.memory_space<vmem>>
    %dma_wait3A_119 = tpu.memref_squeeze %dma_wait3A_118 : memref<1x128x128xf32, #tpu.memory_space<vmem>> -> memref<128x128xf32, #tpu.memory_space<vmem>>
    %dma_wait3A_120 = arith.constant 0 : i32
    %dma_wait3A_121 = tpu.memref_slice %arg4[%mul3A_2, %dma_wait3A_120] : memref<819200x128xf32, #tpu.memory_space<hbm>> -> memref<128x128xf32, #tpu.memory_space<hbm>>
    %dma_wait3A_122 = tpu.memref_slice %arg8[%dma_wait3A_115] : memref<5x!tpu.dma_semaphore, #tpu.memory_space<semaphore_mem>> -> memref<1x!tpu.dma_semaphore, #tpu.memory_space<semaphore_mem>>
    %dma_wait3A_123 = tpu.memref_squeeze %dma_wait3A_122 : memref<1x!tpu.dma_semaphore, #tpu.memory_space<semaphore_mem>> -> memref<!tpu.dma_semaphore, #tpu.memory_space<semaphore_mem>>
    %dma_wait3A_124 = arith.constant 0 : i32
    %dma_wait3A_125 = tpu.memref_slice %arg4[%mul3A_2, %dma_wait3A_124] : memref<819200x128xf32, #tpu.memory_space<hbm>> -> memref<128x128xf32, #tpu.memory_space<hbm>>
    %dma_wait3A_126 = arith.constant 0 : i32
    %dma_wait3A_127 = arith.constant 0 : i32
    %dma_wait3A_128 = tpu.memref_slice %arg6[%dma_wait3A_114, %dma_wait3A_126, %dma_wait3A_127] : memref<5x128x128xf32, #tpu.memory_space<vmem>> -> memref<1x128x128xf32, #tpu.memory_space<vmem>>
    %dma_wait3A_129 = tpu.memref_squeeze %dma_wait3A_128 : memref<1x128x128xf32, #tpu.memory_space<vmem>> -> memref<128x128xf32, #tpu.memory_space<vmem>>
    tpu.wait_dma2 semaphore(%dma_wait3A_123 : memref<!tpu.dma_semaphore, #tpu.memory_space<semaphore_mem>>) src(%dma_wait3A_129 : memref<128x128xf32, #tpu.memory_space<vmem>>) dst(%dma_wait3A_125 : memref<128x128xf32, #tpu.memory_space<hbm>>)
    return
  }
}

</mosaic_0001>

<sc_bundles>
// kernel: _sc_gather.3.cloned.1.call-start
scs
__scs_entry_jumppad:
0x0: {  	(pc) =	sbr.rel $0x88, $3  }
0x1: {  	(tag) =	ssettag $0x0;
	lr =	simm.s32 $0x1  }
0x2: {  	[smem:$0x3F9F] =	sst lr;
	_ =	strace $0xD0000000  }
0x3: {  	_ = 	snop  }
0x4: {  	_ = 	snop  }
0x5: {  	_ = 	snop  }
0x6: {  	_ = 	snop  }
0x7: {  	_ = 	snop  }
__scs_overlays_trampoline_lowered:
0x8: {  	[smem:$0x3FAE] =	sst s0  }
0x9: {  	[smem:$0x3FAF] =	sst s1  }
0xa: {  	[smem:$0x3FB0] =	sst s2  }
0xb: {  	[smem:$0x3FB1] =	sst s3  }
0xc: {  	[smem:$0x3FB2] =	sst s4  }
0xd: {  	[smem:$0x3FB3] =	sst s5  }
0xe: {  	[smem:$0x3FB4] =	sst s6  }
0xf: {  	[smem:$0x3FB5] =	sst s7  }
0x10: {  	[smem:$0x3FB6] =	sst s8  }
0x11: {  	[smem:$0x3FB7] =	sst s9;
	s0 =	simm.s32 @!p0 $0x0  }
0x12: {  	s1 =	sld [smem:$0x3F9D];
	s0 =	simm.s32 @p0 $0x1  }
0x13: {  	[smem:$0x3FB8] =	sst s0;
	s0 =	simm.s32 @!p1 $0x0  }
0x14: {  	s2 =	sld [smem:$0x3F9C];
	s0 =	simm.s32 @p1 $0x1  }
0x15: {  	[smem:$0x3FB9] =	sst s0;
	s0 =	simm.s32 @!p2 $0x0  }
0x16: {  	s3 =	sld [smem:$0x3FDB];
	s0 =	simm.s32 @p2 $0x1  }
0x17: {  	s4 =	simm.s32 $0x1BF5;
	[smem:$0x3FBB] =	sst s0  }
0x18: {  	s0 =	sld [smem:$0x3F9E];
	_ =	swait.ge [sflag:s4], $0x0  }
0x19: {  	s7 =	sld [smem:$0x3F9F]  }
0x1a: {  	s8 =	sadd.s32 $0xFFFFE003, lr  }
0x1b: {  	s9 =	sadd.s32 $0xFFFFFEF7, lr;
	s5 =	simm.s32 $0xFFFFFFFF;
	p2 =	slt.u32 s8, $0xFFFFF086  }
0x1c: {  	p1 =	slt.u32 s9, $0xF7A;
	s5 =	simm.s32 @!p2 $0x0  }
0x1d: {  	s5 =	simm.s32 @p1 $0x1;
	p0 =	seq.s32 s7, s2  }
0x1e: {  	s7 =	smul.u32 @!p0 $0xF7A, s2;
	p2 =	seq.s32 @!p0 s5, $0x0  }
0x1f: {  	s9 =	smul.u32 $0xF7A, s1;
	s8 =	simm.s32 @!p0 $0x1BF5;
	p2 =	por !p2, p0  }
0x20: {  	[sflag:s8] =	ssyncset.s32 @!p0 $0xFFFFF086;
	s6 =	sadd.s32 @!p0 s3, s7;
	s7 =	simm.s32 @!p0 $0x108  }
0x21: {  	s3 =	sadd.s32 s3, s9;
	s6 =	sadd.s32 @!p0 $0x88, s6;
	s7 =	simm.s32 @p2 $0x1082  }
0x22: {  	[simem:s7], [sflag:s8] =	dma.local @!p0 [hbm:s6], $0xF7A  }
0x23: {  	s9 =	sor.u32 $0xD0000000, s2;
	s6 =	simm.s32 $0x108;
	_ =	swait.ge @!p0 [sflag:s8], $0x0  }
0x24: {  	s3 =	sadd.s32 $0x88, s3;
	s6 =	simm.s32 @!p1 $0x1082;
	[sflag:s4] =	ssyncset.s32 $0xFFFFF086  }
0x25: {  	[simem:s6], [sflag:s4] =	dma.local [hbm:s3], $0xF7A  }
0x26: {  	[smem:$0x3F9F] =	sst s1;
	(tag) =	ssettag s2;
	_ =	strace s9  }
0x27: {  	s1 =	sld [smem:$0x3FAF]  }
0x28: {  	s2 =	sld [smem:$0x3FB0]  }
0x29: {  	s4 =	sld [smem:$0x3FB2]  }
0x2a: {  	p0 =	seq.s32 s5, $0x0;
	s5 =	sld [smem:$0x3FB3]  }
0x2b: {  	s6 =	sld [smem:$0x3FB4]  }
0x2c: {  	s7 =	sld [smem:$0x3FB5]  }
0x2d: {  	s3 =	simm.s32 $0x108;
	s8 =	sld [smem:$0x3FB6]  }
0x2e: {  	s3 =	simm.s32 @!p0 $0x1082;
	s9 =	sld [smem:$0x3FB7]  }
0x2f: {  	lr =	sadd.s32 s0, s3;
	s0 =	sld [smem:$0x3FAE]  }
0x30: {  	s3 =	sld [smem:$0x3FB1]  }
0x31: {  	[smem:$0x3FBA] =	sst s10  }
0x32: {  	s10 =	sld [smem:$0x3FB8];
	_ =	sdelay $0x3  }
0x33: {  	p0 =	seq.s32 s10, $0x1;
	s10 =	sld [smem:$0x3FBA];
	_ =	sdelay $0x3  }
0x34: {  	[smem:$0x3FBA] =	sst s10  }
0x35: {  	s10 =	sld [smem:$0x3FB9];
	_ =	sdelay $0x3  }
0x36: {  	p1 =	seq.s32 s10, $0x1;
	s10 =	sld [smem:$0x3FBA];
	_ =	sdelay $0x3  }
0x37: {  	[smem:$0x3FBA] =	sst s10  }
0x38: {  	s10 =	sld [smem:$0x3FBB]  }
0x39: {  	_ = 	snop;
	(pc) =	sbr.ind lr, $3  }
0x3a: {  	_ = 	snop  }
0x3b: {  	_ = 	snop  }
0x3c: {  	p2 =	seq.s32 s10, $0x1;
	s10 =	sld [smem:$0x3FBA]  }
0x3d: {  	_ =	shalt  }
0x3e: {  	_ =	shalt  }
0x3f: {  	_ =	shalt  }
0x40: {  	_ =	shalt  }
0x41: {  	_ =	shalt  }
0x42: {  	_ =	shalt  }
0x43: {  	_ =	shalt  }
0x44: {  	_ =	shalt  }
0x45: {  	_ =	shalt  }
0x46: {  	_ =	shalt  }
0x47: {  	_ =	shalt  }
0x48: {  	_ =	shalt  }
0x49: {  	_ =	shalt  }
0x4a: {  	_ =	shalt  }
0x4b: {  	_ =	shalt  }
0x4c: {  	_ =	shalt  }
0x4d: {  	_ =	shalt  }
0x4e: {  	_ =	shalt  }
0x4f: {  	_ =	shalt  }
0x50: {  	_ =	shalt  }
0x51: {  	_ =	shalt  }
0x52: {  	_ =	shalt  }
0x53: {  	_ =	shalt  }
0x54: {  	_ =	shalt  }
0x55: {  	_ =	shalt  }
0x56: {  	_ =	shalt  }
0x57: {  	_ =	shalt  }
0x58: {  	_ =	shalt  }
0x59: {  	_ =	shalt  }
0x5a: {  	_ =	shalt  }
0x5b: {  	_ =	shalt  }
0x5c: {  	_ =	shalt  }
0x5d: {  	_ =	shalt  }
0x5e: {  	_ =	shalt  }
0x5f: {  	_ =	shalt  }
0x60: {  	_ =	shalt  }
0x61: {  	_ =	shalt  }
0x62: {  	_ =	shalt  }
0x63: {  	_ =	shalt  }
0x64: {  	_ =	shalt  }
0x65: {  	_ =	shalt  }
0x66: {  	_ =	shalt  }
0x67: {  	_ =	shalt  }
0x68: {  	_ =	shalt  }
0x69: {  	_ =	shalt  }
0x6a: {  	_ =	shalt  }
0x6b: {  	_ =	shalt  }
0x6c: {  	_ =	shalt  }
0x6d: {  	_ =	shalt  }
0x6e: {  	_ =	shalt  }
0x6f: {  	_ =	shalt  }
0x70: {  	_ =	shalt  }
0x71: {  	_ =	shalt  }
0x72: {  	_ =	shalt  }
0x73: {  	_ =	shalt  }
0x74: {  	_ =	shalt  }
0x75: {  	_ =	shalt  }
0x76: {  	_ =	shalt  }
0x77: {  	_ =	shalt  }
0x78: {  	_ =	shalt  }
0x79: {  	_ =	shalt  }
0x7a: {  	_ =	shalt  }
0x7b: {  	_ =	shalt  }
0x7c: {  	_ =	shalt  }
0x7d: {  	_ =	shalt  }
0x7e: {  	_ =	shalt  }
0x7f: {  	_ =	shalt  }
0x80: {  	_ =	shalt  }
0x81: {  	_ =	shalt  }
0x82: {  	_ =	shalt  }
0x83: {  	_ =	shalt  }
0x84: {  	_ =	shalt  }
0x85: {  	_ =	shalt  }
0x86: {  	_ =	shalt  }
0x87: {  	_ =	shalt  }
.Lfunc_end0:
.L_simem_size_0:
called_computation_lowered:
.L_overlay_start_0:
0x88: {  	s2 =	sld [smem:$0x3FD9]  }
0x89: {  	s3 =	sld [smem:$0x3FFE];
	_ =	sdelay $0x1  }
0x8a: {  	s1 =	srdreg.scid  }
0x8b: {  	s0 =	sand.u32 $0x1, s1  }
0x8c: {  	s18 =	sshll.u32 s0, $0xA;
	s2 =	sadd.s32 s3, s2  }
0x8d: {  	s2 =	sadd.s32 s2, s18  }
0x8e: {  	[smem:$0x3FC6] =	sst s2  }
0x8f: {  	_ = 	snop  }
0x90: {  	s2 =	sld [smem:$0x3FC9]  }
0x91: {  	s19 =	sld [smem:$0x3FC8]  }
0x92: {  	s4 =	sld [smem:$0x3FD0];
	(tm) =	ssettm $0x1  }
0x93: {  	s5 =	sld [smem:$0x3FFB];
	_ =	sdelay $0x3  }
0x94: {  	_ =	strace s5  }
0x95: {  	s5 =	sld [smem:$0x3FFC];
	_ =	sdelay $0x3  }
0x96: {  	_ =	strace s5  }
0x97: {  	s5 =	sld [smem:$0x3FFD];
	_ =	sdelay $0x3  }
0x98: {  	_ =	strace s5  }
0x99: {  	_ =	strace $0x8FFFFFFF  }
0x9a: {  	s20 =	sld [smem:$0x3FDB];
	_ =	sdelay $0x1  }
0x9b: {  	s6 =	simm.s32 $_scs_section_size  }
0x9c: {  	s7 =	simm.s32 $_size__tile_overlayer_lowered;
	s8 =	simm.s32 $_tile_overlayer_lowered  }
0x9d: {  	s23 =	simm.s32 $0x1BFF;
	s22 =	sshll.u32 s8, $0x1;
	s5 =	sadd.s32 s6, s20  }
0x9e: {  	s9 =	simm.s32 $0x0;
	s21 =	sshll.u32 s7, $0x1;
	s7 =	sadd.s32 s22, s5  }
0x9f: {  	[timem:s9], [sflag:s23] =	dma.local [hbm:s7], s21  }
0xa0: {  	_ =	swait.ge [sflag:s23], s21  }
0xa1: {  	s6 =	ssub.s32 $0x0, s21;
	[sflag:s23] =	ssyncset.done $0x0  }
0xa2: {  	[sflag:s23] =	ssyncadd.s32 s6;
	_ =	sdelay $0x1  }
0xa3: {  	s24 =	simm.s32 $0x1B8B  }
0xa4: {  	_ =	swait.ge [sflag:s24], $0x1  }
0xa5: {  	[sflag:s24] =	ssyncset.done $0x0  }
0xa6: {  	s25 =	simm.s32 $0x1B8E;
	[sflag:s24] =	ssyncadd.s32 $0xFFFFFFFF  }
0xa7: {  	s26 =	simm.s32 $execute0_lowered;
	[smem:$0x3FD2] =	sst s25  }
0xa8: {  	s6 =	sshll.u32 s26, $0x1;
	_ =	strace $0x80000046;
	[dreg:$0x1] =	wrdreg $0xFFFFFFFF  }
0xa9: {  	s28 =	simm.s32 $_size_execute0_lowered;
	s5 =	sadd.s32 s5, s6;
	[dreg:$0x0] =	wrdreg $0x0  }
0xaa: {  	s6 =	sshll.u32 s28, $0x1;
	[dreg:$0x2] =	wrdreg s5  }
0xab: {  	[dreg:$0x3] =	wrdreg s6  }
0xac: {  	[dreg:$0x4] =	wrdreg $0xC0  }
0xad: {  	_ =	task [dreg:s9], $0x5FFFF  }
0xae: {  	[dreg:$0x1] =	wrdreg $0xFFFFFFFF  }
0xaf: {  	[dreg:$0x0] =	wrdreg $0x60  }
0xb0: {  	[dreg:$0x2] =	wrdreg s2  }
0xb1: {  	[dreg:$0x3] =	wrdreg s19  }
0xb2: {  	[dreg:$0x4] =	wrdreg s4  }
0xb3: {  	[dreg:$0x5] =	wrdreg $0x9  }
0xb4: {  	_ =	task.clear_ibuf [dreg:s9], $0x6FFFF;
	_ =	strace $0x90000046  }
0xb5: {  	s29 =	simm.s32 $0x9;
	_ =	strace $0x80000048  }
0xb6: {  	_ =	swait.ge [sflag:s29], $0x1  }
0xb7: {  	[sflag:s29] =	ssyncadd.s32 $0xFFFFFFFF  }
0xb8: {  	_ =	strace $0x90000048  }
0xb9: {  	_ =	sfence  }
0xba: {  	s30 =	sld [smem:$0x0];
	_ =	sdelay $0x2  }
0xbb: {  	s31 =	sshll.u32 s1, $0xD;
	s1 =	sshrl.u32 s1, $0x2  }
0xbc: {  	s3 =	sand.u32 $0x4000, s31;
	s1 =	sadd.s32 s1, s30  }
0xbd: {  	s0 =	sor.u32 s3, s0;
	s1 =	sshll.u32 s1, $0x11  }
0xbe: {  	s0 =	sor.u32 s1, s0  }
0xbf: {  	s0 =	sadd.s32 $0x8F2B, s0  }
0xc0: {  	[sflag:s0] =	ssyncadd.remote.s32 $0x1  }
0xc1: {  	_ =	sfence.sel $0xFFFF  }
0xc2: {  	[dreg:$0x0] =	wrdreg $0xFFFFFFFF;
	(pc) =	sbr.abs _section_cstart, $3  }
0xc3: {  	[dreg:$0x1] =	wrdreg $0xFFFFFFFF  }
0xc4: {  	_ =	task.clear_ibuf [dreg:s9], $0x2FFFF;
	_ =	strace $0x9FFFFFFF  }
0xc5: {  	(tm) =	ssettm $0x7FFFFFFF  }
tec
execute0_lowered:
.L_overlay_start_1:
0x0: {  	(tag) =	ssettag $0x1  }
0x1: {  	s2 =	srdreg.scid;
	s1 =	rddreg [dreg:$0x0]  }
0x2: {  	s0 =	stileid.u32;
	s5 =	rddreg [dreg:$0x1];
	s12 =	simm.s32 $0x6400  }
0x3: {  	s13 =	simm.s32 $0xA400;
	s15 =	simm.s32 $0xE400;
	s16 =	simm.s32 $0x1  }
0x4: {  	s17 =	simm.s32 $0x12400;
	s18 =	simm.s32 $0x2;
	s19 =	simm.s32 $0x16400  }
0x5: {  	s20 =	simm.s32 $0x3;
	s21 =	simm.s32 $0x4;
	s22 =	simm.s32 $0x5  }
0x6: {  	s23 =	simm.s32 $0x6;
	s24 =	simm.s32 $0x7;
	s7 =	smul.u32 $0xC8000, s0  }
0x7: {  	s25 =	simm.s32 $0x8;
	s2 =	sand.u32 $0x1, s2;
	s9 =	smul.u32 $0x640000, s0  }
0x8: {  	s28 =	simm.s32 $0xA;
	s3 =	sshll.u32 s0, $0x1;
	s11 =	smul.u32 $0x320000, s2  }
0x9: {  	s4 =	sor.u32 s2, s3;
	s8 =	ssub.s32 $0x2, s2;
	s2 =	smul.u32 $0x64000, s2  }
0xa: {  	s6 =	smul.u32 $0x6400, s4;
	s4 =	simm.s32 $0x0;
	s10 =	sshrl.u32 s8, $0x1  }
0xb: {  	s29 =	simm.s32 $0x0;
	[smem:$0x7FF] =	sst s4;
	s8 =	ssub.s32 s8, s10  }
.Ltmp0:
0xc: {  	s30 =	sadd.s32 s11, s9;
	s7 =	sadd.s32 s2, s7;
	(pc) =	sbr.rel .LBB2_1-.Ltmp0, $4  }
0xd: {  	s10 =	simm.s32 $0xB;
	s11 =	simm.s32 $0x80;
	_ =	strace $0x80000047  }
0xe: {  	s6 =	sshrl.u32 s6, $0x3;
	s31 =	sor.u32 $0x10000, s30;
	s9 =	sor.u32 $0xC000, s30  }
0xf: {  	s26 =	sadd.s32 s5, s6;
	s6 =	smax.u32 s8, $0x1;
	s8 =	sshrl.u32 s31, $0x3  }
0x10: {  	s9 =	sshrl.u32 s9, $0x3;
	[dreg:$0x4] =	wrdreg s26;
	s26 =	simm.s32 $0x9  }
.LBB2_4:
0x11: {  	_ =	swait.ge [sflag:s23], $0x4000  }
0x12: {  	[sflag:s23] =	ssyncset.done $0x0  }
0x13: {  	[sflag:s23] =	ssyncadd.s32 $0xFFFFC000  }
0x14: {  	_ =	swait.ge [sflag:s24], $0x4000  }
0x15: {  	[sflag:s24] =	ssyncset.done $0x0  }
0x16: {  	[sflag:s24] =	ssyncadd.s32 $0xFFFFC000  }
0x17: {  	_ =	swait.ge [sflag:s25], $0x4000  }
0x18: {  	[sflag:s25] =	ssyncset.done $0x0  }
0x19: {  	s29 =	sadd.s32 $0x1, s29;
	[sflag:s25] =	ssyncadd.s32 $0xFFFFC000  }
0x1a: {  	p0 =	sne.s32 s29, s6;
	_ =	swait.ge [sflag:s26], $0x4000  }
.Ltmp1:
0x1b: {  	[sflag:s26] =	ssyncset.done $0x0;
	(pc) =	sbr.rel @!p0 .LBB2_5-.Ltmp1, $4  }
0x1c: {  	[sflag:s26] =	ssyncadd.s32 $0xFFFFC000  }
0x1d: {  	_ =	swait.ge [sflag:s28], $0x4000  }
0x1e: {  	[sflag:s28] =	ssyncset.done $0x0  }
0x1f: {  	[sflag:s28] =	ssyncadd.s32 $0xFFFFC000  }
.LBB2_1:
0x20: {  	s0 =	rddreg [dreg:$0x4]  }
0x21: {  	[tilespmem:s4], [sflag:$0xB] =	stream.linear.gather [hbm4b:s0+s4], $0x6400, $0x38;
	[tilespmem:$0x1A400] =	vst v63  }
0x22: {  	_ =	swait.ge [sflag:s10], $0x6400  }
0x23: {  	[sflag:s10] =	ssyncset.done $0x0  }
0x24: {  	[sflag:s10] =	ssyncadd.s32 $0xFFFF9C00  }
0x25: {  	[tilespmem:s12], [sflag:$0x1] =	stream.indirect.gather [hbm4b:s1+s11], $0x80, s4, s11, $0xb8;
	[tilespmem:$0x1A400] =	vst v63  }
0x26: {  	_ = 	snop  }
0x27: {  	[tilespmem:s13], [sflag:$0x2] =	stream.indirect.gather [hbm4b:s1+s11], $0x80, s11, s11, $0xb8;
	[tilespmem:$0x1A400] =	vst v63  }
0x28: {  	s14 =	simm.s32 $0x100;
	s31 =	simm.s32 $0x0;
	s30 =	rddreg [dreg:$0x2]  }
0x29: {  	[tilespmem:s15], [sflag:$0x3] =	stream.indirect.gather [hbm4b:s1+s11], $0x80, s14, s11, $0xb8;
	[tilespmem:$0x1A400] =	vst v63  }
.LBB2_2:
0x2a: {  	_ =	swait.ge [sflag:s16], $0x4000  }
0x2b: {  	p0 =	seq.s32 s31, $0x0;
	[sflag:s16] =	ssyncset.done $0x0  }
0x2c: {  	s0 =	sadd.s32 s30, s7;
	s3 =	simm.s32 @!p0 $0x9;
	[sflag:s16] =	ssyncadd.s32 $0xFFFFC000  }
0x2d: {  	[hbm4b:s0+s4] =	stream.linear.scatter [tilespmem:s12], [sflag:$0x6], $0x4000, $0x38;
	[tilespmem:$0x1A400] =	vst v63  }
0x2e: {  	_ =	swait.ge @!p0 [sflag:s3], $0x4000  }
0x2f: {  	s2 =	sshra.s32 s31, $0x2;
	[sflag:s3] =	ssyncset.done @!p0 $0x0  }
0x30: {  	s14 =	sadd.s32 $0x180, s2;
	[sflag:s3] =	ssyncadd.s32 @!p0 $0xFFFFC000  }
0x31: {  	[tilespmem:s17], [sflag:$0x4] =	stream.indirect.gather [hbm4b:s1+s11], $0x80, s14, s11, $0xb8;
	[tilespmem:$0x1A400] =	vst v63  }
0x32: {  	_ =	swait.ge [sflag:s18], $0x4000  }
0x33: {  	[sflag:s18] =	ssyncset.done $0x0  }
0x34: {  	s5 =	sadd.s32 $0x800, s0;
	s3 =	simm.s32 @!p0 $0xA;
	[sflag:s18] =	ssyncadd.s32 $0xFFFFC000  }
0x35: {  	[hbm4b:s5+s4] =	stream.linear.scatter [tilespmem:s13], [sflag:$0x7], $0x4000, $0x38;
	[tilespmem:$0x1A400] =	vst v63  }
0x36: {  	_ =	swait.ge @!p0 [sflag:s3], $0x4000  }
0x37: {  	[sflag:s3] =	ssyncset.done @!p0 $0x0  }
0x38: {  	s14 =	sadd.s32 $0x200, s2;
	[sflag:s3] =	ssyncadd.s32 @!p0 $0xFFFFC000  }
0x39: {  	[tilespmem:s19], [sflag:$0x5] =	stream.indirect.gather [hbm4b:s1+s11], $0x80, s14, s11, $0xb8;
	[tilespmem:$0x1A400] =	vst v63  }
0x3a: {  	_ =	swait.ge [sflag:s20], $0x4000  }
0x3b: {  	[sflag:s20] =	ssyncset.done $0x0  }
0x3c: {  	s0 =	sadd.s32 $0x1000, s0;
	p0 =	seq.s32 s31, $0x18600;
	[sflag:s20] =	ssyncadd.s32 $0xFFFFC000  }
0x3d: {  	[hbm4b:s0+s4] =	stream.linear.scatter [tilespmem:s15], [sflag:$0x8], $0x4000, $0x38;
	[tilespmem:$0x1A400] =	vst v63  }
0x3e: {  	s0 =	simm.s32 @!p0 $0x6  }
0x3f: {  	_ =	swait.ge @!p0 [sflag:s0], $0x4000  }
0x40: {  	[sflag:s0] =	ssyncset.done @!p0 $0x0  }
0x41: {  	[sflag:s0] =	ssyncadd.s32 @!p0 $0xFFFFC000;
	s0 =	sshra.s32 @!p0 s31, $0x2  }
0x42: {  	s14 =	simm.s32 @!p0 $0x80;
	s5 =	simm.s32 @!p0 $0x6400;
	s3 =	sadd.s32 @!p0 $0x280, s0  }
0x43: {  	[tilespmem:s5], [sflag:$0x1] =	stream.indirect.gather @!p0 [hbm4b:s1+s14], $0x80, s3, s14, $0xb8;
	[tilespmem:$0x1A400] =	vst v63  }
0x44: {  	_ =	swait.ge [sflag:s21], $0x4000  }
0x45: {  	[sflag:s21] =	ssyncset.done $0x0  }
0x46: {  	s5 =	sadd.s32 s30, s9;
	s3 =	simm.s32 @!p0 $0x7;
	[sflag:s21] =	ssyncadd.s32 $0xFFFFC000  }
0x47: {  	[hbm4b:s5+s4] =	stream.linear.scatter [tilespmem:s17], [sflag:$0x9], $0x4000, $0x38;
	[tilespmem:$0x1A400] =	vst v63  }
0x48: {  	_ =	swait.ge @!p0 [sflag:s3], $0x4000  }
0x49: {  	[sflag:s3] =	ssyncset.done @!p0 $0x0  }
0x4a: {  	s0 =	sadd.s32 @!p0 $0x300, s0;
	[sflag:s3] =	ssyncadd.s32 @!p0 $0xFFFFC000;
	s3 =	simm.s32 @!p0 $0xA400  }
0x4b: {  	[tilespmem:s3], [sflag:$0x2] =	stream.indirect.gather @!p0 [hbm4b:s1+s14], $0x80, s0, s14, $0xb8;
	[tilespmem:$0x1A400] =	vst v63  }
.Ltmp2:
0x4c: {  	_ = 	snop;
	(pc) =	sbr.rel @p0 .LBB2_4-.Ltmp2, $4  }
0x4d: {  	_ =	swait.ge [sflag:s22], $0x4000  }
0x4e: {  	[sflag:s22] =	ssyncset.done $0x0  }
0x4f: {  	s14 =	sadd.s32 s30, s8;
	[sflag:s22] =	ssyncadd.s32 $0xFFFFC000  }
0x50: {  	[hbm4b:s14+s4] =	stream.linear.scatter [tilespmem:s19], [sflag:$0xA], $0x4000, $0x38;
	[tilespmem:$0x1A400] =	vst v63  }
.Ltmp3:
0x51: {  	(pc) =	sbr.rel .LBB2_2-.Ltmp3, $4  }
0x52: {  	_ =	swait.ge [sflag:s25], $0x4000  }
0x53: {  	s0 =	sadd.s32 $0x380, s2;
	[sflag:s25] =	ssyncset.done $0x0  }
0x54: {  	s31 =	sadd.s32 $0xA00, s31;
	s30 =	sadd.s32 $0x2800, s30;
	[sflag:s25] =	ssyncadd.s32 $0xFFFFC000  }
0x55: {  	[tilespmem:s15], [sflag:$0x3] =	stream.indirect.gather [hbm4b:s1+s11], $0x80, s0, s11, $0xb8;
	[tilespmem:$0x1A400] =	vst v63  }
.LBB2_5:
0x56: {  	_ =	sfence.sel $0x180000  }
0x57: {  	[bflag:$0x0] =	sbarrier.arrive $0xFFFF  }
0x58: {  	_ =	strace $0x90000047  }
0x59: {  	s0 =	stileid.u32;
	[bflag:$0x2] =	sbarrier.arrive $0xFFFF  }
0x5a: {  	p0 =	sne.s32 s0, $0x0;
	s0 =	rddreg [dreg:$0x3]  }
0x5b: {  	s0 =	sadd.s32 @!p0 $0x100000, s0  }
0x5c: {  	[sflag:s0] =	ssyncadd.tile.s32 @!p0 $0x1;
	_ =	shalt  }
.Lfunc_end2:
_tile_overlayer_lowered:
.L_overlay_start_2:
0x5d: {  	(tag) =	ssettag $0x2  }
0x5e: {  	s0 =	rddreg [dreg:$0x0];
	s2 =	stileid.u32  }
0x5f: {  	s1 =	rddreg [dreg:$0x1];
	p0 =	sne.s32 s2, $0x0  }
0x60: {  	s3 =	rddreg [dreg:$0x2];
	[bflag:$0x3] =	sbarrier.arrive $0xFFFF;
	s2 =	simm.s32 @!p0 $0x1C0B  }
0x61: {  	[timem:s3], [sflag:s2] =	dma.local @!p0 [hbm:s0], s1  }
0x62: {  	s0 =	simm.s32 @!p0 $0xB  }
0x63: {  	_ =	swait.ge @!p0 [sflag:s0], s1  }
0x64: {  	s1 =	ssub.s32 @!p0 $0x0, s1;
	[sflag:s0] =	ssyncset.done @!p0 $0x0  }
0x65: {  	[sflag:s0] =	ssyncadd.s32 @!p0 s1  }
0x66: {  	[bflag:$0x3] =	sbarrier.arrive $0xFFFF  }
0x67: {  	_ =	shalt  }

</sc_bundles>
